<compile_context>
chip_gen: v7x
topology: tpu7x:2x2x1
jax: 0.10.2.dev20260603
libtpu: 0.0.44.dev20260713+nightly
codegen_flags: <defaults>
</compile_context>

<pallas_src>
import functools

import jax
import jax.numpy as jnp
import numpy as np
from jax import lax
from jax.experimental import pallas as pl
from jax.experimental.pallas import tpu as pltpu
from jax.experimental.pallas import tpu_sc as plsc

N = 10000
E = 320000
NG = 64
D = 128

NW = 32
LANE = 128
RPT = 80
EPT = RPT * LANE
EPAD = NW * EPT
NPAD = 10240
SLC = NPAD // 16


def _proj_body(x_ref, w_ref, asr_ref, adr_ref, cw_ref, o_ref):
    h = jnp.dot(x_ref[...], w_ref[...], preferred_element_type=jnp.float32)
    a = jnp.concatenate([asr_ref[...], adr_ref[...], cw_ref[...],
                         jnp.zeros((5, D), jnp.float32)], axis=0)
    o_ref[...] = lax.dot_general(
        a, h, (((1,), (1,)), ((), ())), preferred_element_type=jnp.float32)


def _edge_body(e_hbm, ps_hbm, pd_hbm, asp_hbm, adp_hbm, vp_hbm, s_out, n_out,
               asp_v, adp_v, vp_v, src_v, dst_v, p_v, q_v, z_v,
               acc_s, acc_n):
    c = lax.axis_index("c")
    sid = lax.axis_index("s")
    wid = c * 16 + sid
    base = wid * RPT
    nfull = E // EPT

    @pl.when(wid < nfull)
    def _():
        pltpu.sync_copy(e_hbm.at[0, pl.ds(base, RPT)], src_v)
        pltpu.sync_copy(e_hbm.at[1, pl.ds(base, RPT)], dst_v)

    @pl.when(wid == nfull)
    def _():
        tail = E // LANE - nfull * RPT
        t8 = tail + 4
        pltpu.sync_copy(e_hbm.at[0, pl.ds(nfull * RPT, t8)],
                        src_v.at[pl.ds(0, t8)])
        pltpu.sync_copy(e_hbm.at[1, pl.ds(nfull * RPT, t8)],
                        dst_v.at[pl.ds(0, t8)])
        pltpu.sync_copy(ps_hbm.at[pl.ds(0, RPT - t8)],
                        src_v.at[pl.ds(t8, RPT - t8)])
        pltpu.sync_copy(pd_hbm.at[pl.ds(0, RPT - t8)],
                        dst_v.at[pl.ds(t8, RPT - t8)])
        for j in range(tail, t8):
            for k in range(LANE // 16):
                sl = pl.ds(k * 16, 16)
                src_v[j, sl] = jnp.zeros((16,), jnp.int32)
                dst_v[j, sl] = jnp.full((16,), N + 112 + (j - tail) * 8 + k,
                                        jnp.int32)

    pltpu.sync_copy(asp_hbm, asp_v)
    pltpu.sync_copy(adp_hbm, adp_v)
    pltpu.sync_copy(vp_hbm, vp_v)

    zero16 = jnp.zeros((16,), jnp.float32)

    def zb(i, carry):
        z_v[pl.ds(i * 16, 16)] = zero16
        return carry

    lax.fori_loop(0, SLC // 16, zb, 0)
    pltpu.sync_copy(z_v, acc_s.at[pl.ds(sid * SLC, SLC)])
    pltpu.sync_copy(z_v, acc_n.at[pl.ds(sid * SLC, SLC)])
    plsc.subcore_barrier()

    def row(j, carry):
        for k in range(LANE // 16):
            sl = pl.ds(k * 16, 16)
            si = src_v[j, sl]
            di = dst_v[j, sl]
            a_s = plsc.load_gather(asp_v, [si])
            a_d = plsc.load_gather(adp_v, [di])
            vv = plsc.load_gather(vp_v, [si])
            z = a_s + a_d
            p = jnp.exp(jnp.maximum(z, z * 0.2))
            p_v[j, sl] = p
            q_v[j, sl] = p * vv
        return carry

    lax.fori_loop(0, RPT, row, 0)

    def srow(j, carry):
        pltpu.sync_copy(p_v.at[j], acc_s.at[dst_v.at[j]], add=True)
        pltpu.sync_copy(q_v.at[j], acc_n.at[dst_v.at[j]], add=True)
        return carry

    lax.fori_loop(0, RPT, srow, 0)
    plsc.subcore_barrier()

    pltpu.sync_copy(acc_s.at[pl.ds(sid * SLC, SLC)],
                    s_out.at[c, pl.ds(sid * SLC, SLC)])
    pltpu.sync_copy(acc_n.at[pl.ds(sid * SLC, SLC)],
                    n_out.at[c, pl.ds(sid * SLC, SLC)])


_edge_call = functools.partial(
    pl.kernel,
    out_type=(jax.ShapeDtypeStruct((2, NPAD), jnp.float32),
              jax.ShapeDtypeStruct((2, NPAD), jnp.float32)),
    mesh=plsc.VectorSubcoreMesh(core_axis_name="c", subcore_axis_name="s"),
    compiler_params=pltpu.CompilerParams(needs_layout_passes=False),
    scratch_types=[
        pltpu.VMEM((NPAD,), jnp.float32),
        pltpu.VMEM((NPAD,), jnp.float32),
        pltpu.VMEM((NPAD,), jnp.float32),
        pltpu.VMEM((RPT, LANE), jnp.int32),
        pltpu.VMEM((RPT, LANE), jnp.int32),
        pltpu.VMEM((RPT, LANE), jnp.float32),
        pltpu.VMEM((RPT, LANE), jnp.float32),
        pltpu.VMEM((SLC,), jnp.float32),
        pltpu.VMEM_SHARED((NPAD,), jnp.float32),
        pltpu.VMEM_SHARED((NPAD,), jnp.float32),
    ],
)


def _final_body(s_ref, n_ref, asp_ref, adp_ref, vp_ref,
                b_ref, bias_ref, clsw_ref, clsb_ref, o_ref):
    z = asp_ref[...] + adp_ref[...]
    sp = jnp.exp(jnp.maximum(z, z * 0.2))
    stot = s_ref[0:1, :] + s_ref[1:2, :] + sp
    ntot = n_ref[0:1, :] + n_ref[1:2, :] + sp * vp_ref[...]
    c0 = jnp.sum(bias_ref[...] * clsw_ref[...])
    nv = ntot / (stot + 1e-16) + c0
    batch = b_ref[...]
    nv = jnp.where(batch < NG, nv, 0.0)
    gids = lax.broadcasted_iota(jnp.int32, (NG, NPAD), 0)
    eq = batch == gids
    sums = jnp.sum(jnp.where(eq, nv, 0.0), axis=1)
    cnt = jnp.sum(eq.astype(jnp.float32), axis=1)
    logits = sums / jnp.maximum(cnt, 1.0) + clsb_ref[0, 0]
    o_ref[...] = logits[None, :]


def kernel(x, edge_index, batch, W, a_src, a_dst, bias, cls_W, cls_b):
    f32 = jnp.float32
    P = pl.pallas_call(
        _proj_body,
        out_shape=jax.ShapeDtypeStruct((8, N), f32),
    )(x.astype(f32), W.astype(f32), a_src.reshape(1, D).astype(f32),
      a_dst.reshape(1, D).astype(f32), cls_W.reshape(1, D).astype(f32))
    asp = jnp.pad(P[0], (0, NPAD - N))
    adp = jnp.pad(P[1], (0, NPAD - N))
    vp = jnp.pad(P[2], (0, NPAD - N))

    e3 = jnp.pad(edge_index.astype(jnp.int32).reshape(2, E // LANE, LANE),
                 ((0, 0), (0, 4), (0, 0)))
    pads = jnp.asarray(np.zeros((64, LANE), np.int32))
    padd = jnp.asarray(
        (N + np.arange(64 * LANE, dtype=np.int32) % 112).reshape(64, LANE))

    s_part, n_part = _edge_call(_edge_body)(e3, pads, padd, asp, adp, vp)

    b32 = batch.astype(jnp.int32)
    bpad = jnp.asarray(np.full((NPAD - N,), 1 << 20, np.int32))
    b2 = jnp.concatenate([b32, bpad]).reshape(1, NPAD)
    logits = pl.pallas_call(
        _final_body,
        out_shape=jax.ShapeDtypeStruct((1, NG), f32),
    )(s_part, n_part,
      asp.reshape(1, NPAD), adp.reshape(1, NPAD),
      vp.reshape(1, NPAD), b2,
      bias.reshape(1, D), cls_W.reshape(1, D).astype(f32),
      cls_b.reshape(1, 1).astype(f32))
    return logits.reshape(NG, 1)

# --- scband reference (transcript-rebuilt; emitter-appended) ---
"""Pipeline reference for scband-gatmodel-75428215652386 (READ-ONLY COPY).

The authoritative reference and input builder live on the scoring server;
editing this copy changes nothing except your own understanding.
"""

import jax, jax.numpy as jnp
import numpy as np

N_NODES = 10000
N_EDGES = 320000
D_IN = 128
D_OUT = 128
N_GRAPHS = 64


def setup_inputs(seed: int = 0) -> dict:
    key = jax.random.key(seed)
    ks = jax.random.split(key, 10)
    x = jax.random.normal(ks[0], (N_NODES, D_IN), dtype=jnp.float32)
    edge_index = jax.random.randint(ks[1], (2, N_EDGES), 0, N_NODES, dtype=jnp.int64)
    batch = jnp.sort(jax.random.randint(ks[2], (N_NODES,), 0, N_GRAPHS, dtype=jnp.int64))
    # GATConv parameters (heads=1, concat=True)
    W = jax.random.normal(ks[3], (D_IN, D_OUT), dtype=jnp.float32) * (1.0 / np.sqrt(D_IN))
    a_src = jax.random.normal(ks[4], (D_OUT,), dtype=jnp.float32) * 0.1
    a_dst = jax.random.normal(ks[5], (D_OUT,), dtype=jnp.float32) * 0.1
    bias = jnp.zeros((D_OUT,), dtype=jnp.float32)
    # classifier
    cls_W = jax.random.normal(ks[6], (D_OUT, 1), dtype=jnp.float32) * (1.0 / np.sqrt(D_OUT))
    cls_b = jnp.zeros((1,), dtype=jnp.float32)
    return {"x": x, "edge_index": edge_index, "batch": batch, "W": W,
            "a_src": a_src, "a_dst": a_dst, "bias": bias,
            "cls_W": cls_W, "cls_b": cls_b}


def reference(x, edge_index, batch, W, a_src, a_dst, bias, cls_W, cls_b):
    N = x.shape[0]
    # GATConv default adds self-loops
    loop = jnp.arange(N, dtype=edge_index.dtype)
    src = jnp.concatenate([edge_index[0], loop])
    dst = jnp.concatenate([edge_index[1], loop])
    # linear projection
    h = x @ W  # [N, D_OUT]
    alpha_s = h @ a_src  # [N]
    alpha_d = h @ a_dst  # [N]
    e = alpha_s[src] + alpha_d[dst]
    e = jax.nn.leaky_relu(e, negative_slope=0.2)
    # segment softmax over incoming edges of each dst node
    m = jax.ops.segment_max(e, dst, num_segments=N)
    e = jnp.exp(e - m[dst])
    s = jax.ops.segment_sum(e, dst, num_segments=N)
    att = e / (s[dst] + 1e-16)
    # weighted message aggregation (scatter-add)
    out = jax.ops.segment_sum(att[:, None] * h[src], dst, num_segments=N)
    out = out + bias
    # global mean pool over graphs
    sums = jax.ops.segment_sum(out, batch, num_segments=N_GRAPHS)
    cnt = jax.ops.segment_sum(jnp.ones((N,), dtype=out.dtype), batch, num_segments=N_GRAPHS)
    pooled = sums / jnp.maximum(cnt, 1.0)[:, None]
    # classifier
    logits = pooled @ cls_W + cls_b
    return logits

if __name__ == "__main__":
    import jax
    _d = setup_inputs()
    print(jax.jit(kernel)(*tuple(_d.values())))

</pallas_src>

<mosaic_0001>
#map = affine_map<(d0, d1) -> (0, 0, 0)>
#map1 = affine_map<(d0, d1) -> (0, 0)>
#map2 = affine_map<(d0, d1) -> (0)>
module attributes {stable_mosaic.version = 14 : i64} {
  func.func @_edge_body(%arg0: i32, %arg1: i32, %arg2: memref<2x2504x128xi32, #tpu.memory_space<hbm>>, %arg3: memref<64x128xi32, #tpu.memory_space<hbm>>, %arg4: memref<64x128xi32, #tpu.memory_space<hbm>>, %arg5: memref<10240xf32, #tpu.memory_space<hbm>>, %arg6: memref<10240xf32, #tpu.memory_space<hbm>>, %arg7: memref<10240xf32, #tpu.memory_space<hbm>>, %arg8: memref<2x10240xf32, #tpu.memory_space<hbm>>, %arg9: memref<2x10240xf32, #tpu.memory_space<hbm>>, %arg10: memref<10240xf32, #tpu.memory_space<vmem>>, %arg11: memref<10240xf32, #tpu.memory_space<vmem>>, %arg12: memref<10240xf32, #tpu.memory_space<vmem>>, %arg13: memref<80x128xi32, #tpu.memory_space<vmem>>, %arg14: memref<80x128xi32, #tpu.memory_space<vmem>>, %arg15: memref<80x128xf32, #tpu.memory_space<vmem>>, %arg16: memref<80x128xf32, #tpu.memory_space<vmem>>, %arg17: memref<640xf32, #tpu.memory_space<vmem>>, %arg18: memref<10240xf32, #tpu.memory_space<vmem_shared>>, %arg19: memref<10240xf32, #tpu.memory_space<vmem_shared>>) attributes {dimension_semantics = [#tpu.dimension_semantics<core_parallel>, #tpu.dimension_semantics<subcore_parallel>], iteration_bounds = array<i64: 2, 16>, scalar_prefetch = 0 : i64, scratch_operands = 10 : i64, tpu.core_type = #tpu.core_type<sc_vector_subcore>, window_params = [{transform_indices = #map}, {transform_indices = #map1}, {transform_indices = #map1}, {transform_indices = #map2}, {transform_indices = #map2}, {transform_indices = #map2}, {transform_indices = #map1}, {transform_indices = #map1}]} {
    %mul3A = arith.constant 16 : i32
    %mul3A_0 = arith.muli %arg0, %mul3A : i32
    %add3A = arith.addi %mul3A_0, %arg1 : i32
    %mul3A_1 = arith.constant 80 : i32
    %mul3A_2 = arith.muli %add3A, %mul3A_1 : i32
    %lt3A = arith.constant 31 : i32
    %lt3A_3 = arith.cmpi slt, %add3A, %lt3A : i32
    %convert_element_type3A = arith.extui %lt3A_3 : i1 to i32
    %cond3A = arith.constant 0 : i32
    %cond3A_4 = arith.cmpi ne, %convert_element_type3A, %cond3A : i32
    scf.if %cond3A_4 {
      %run_scoped3A = arith.constant 0 : i32
      "tpu.region"() ({
        %run_scoped3A_41 = tpu.sem_alloc : memref<!tpu.dma_semaphore, #tpu.memory_space<semaphore_mem>>
        %dma_start3A = arith.constant 0 : i32
        %dma_start3A_42 = tpu.memref_slice %arg2[%run_scoped3A, %mul3A_2, %dma_start3A] : memref<2x2504x128xi32, #tpu.memory_space<hbm>> -> memref<1x80x128xi32, #tpu.memory_space<hbm>>
        %dma_start3A_43 = tpu.memref_squeeze %dma_start3A_42 : memref<1x80x128xi32, #tpu.memory_space<hbm>> -> memref<80x128xi32, #tpu.memory_space<hbm>>
        %dma_start3A_44 = arith.constant 0 : i32
        %dma_start3A_45 = tpu.memref_slice %arg2[%run_scoped3A, %mul3A_2, %dma_start3A_44] : memref<2x2504x128xi32, #tpu.memory_space<hbm>> -> memref<1x80x128xi32, #tpu.memory_space<hbm>>
        %dma_start3A_46 = tpu.memref_squeeze %dma_start3A_45 : memref<1x80x128xi32, #tpu.memory_space<hbm>> -> memref<80x128xi32, #tpu.memory_space<hbm>>
        tpu.enqueue_dma source(%dma_start3A_46 : memref<80x128xi32, #tpu.memory_space<hbm>>) target(%arg13 : memref<80x128xi32, #tpu.memory_space<vmem>>) target_semaphore(%run_scoped3A_41 : memref<!tpu.dma_semaphore, #tpu.memory_space<semaphore_mem>>)
        %dma_wait3A = arith.constant 0 : i32
        %dma_wait3A_47 = tpu.memref_slice %arg2[%run_scoped3A, %mul3A_2, %dma_wait3A] : memref<2x2504x128xi32, #tpu.memory_space<hbm>> -> memref<1x80x128xi32, #tpu.memory_space<hbm>>
        %dma_wait3A_48 = tpu.memref_squeeze %dma_wait3A_47 : memref<1x80x128xi32, #tpu.memory_space<hbm>> -> memref<80x128xi32, #tpu.memory_space<hbm>>
        %dma_wait3A_49 = arith.constant 0 : i32
        %dma_wait3A_50 = tpu.memref_slice %arg2[%run_scoped3A, %mul3A_2, %dma_wait3A_49] : memref<2x2504x128xi32, #tpu.memory_space<hbm>> -> memref<1x80x128xi32, #tpu.memory_space<hbm>>
        %dma_wait3A_51 = tpu.memref_squeeze %dma_wait3A_50 : memref<1x80x128xi32, #tpu.memory_space<hbm>> -> memref<80x128xi32, #tpu.memory_space<hbm>>
        tpu.wait_dma2 semaphore(%run_scoped3A_41 : memref<!tpu.dma_semaphore, #tpu.memory_space<semaphore_mem>>) src(%dma_wait3A_51 : memref<80x128xi32, #tpu.memory_space<hbm>>) dst(%arg13 : memref<80x128xi32, #tpu.memory_space<vmem>>)
        tpu.yield
      }) : () -> ()
      %run_scoped3A_40 = arith.constant 1 : i32
      "tpu.region"() ({
        %run_scoped3A_41 = tpu.sem_alloc : memref<!tpu.dma_semaphore, #tpu.memory_space<semaphore_mem>>
        %dma_start3A = arith.constant 0 : i32
        %dma_start3A_42 = tpu.memref_slice %arg2[%run_scoped3A_40, %mul3A_2, %dma_start3A] : memref<2x2504x128xi32, #tpu.memory_space<hbm>> -> memref<1x80x128xi32, #tpu.memory_space<hbm>>
        %dma_start3A_43 = tpu.memref_squeeze %dma_start3A_42 : memref<1x80x128xi32, #tpu.memory_space<hbm>> -> memref<80x128xi32, #tpu.memory_space<hbm>>
        %dma_start3A_44 = arith.constant 0 : i32
        %dma_start3A_45 = tpu.memref_slice %arg2[%run_scoped3A_40, %mul3A_2, %dma_start3A_44] : memref<2x2504x128xi32, #tpu.memory_space<hbm>> -> memref<1x80x128xi32, #tpu.memory_space<hbm>>
        %dma_start3A_46 = tpu.memref_squeeze %dma_start3A_45 : memref<1x80x128xi32, #tpu.memory_space<hbm>> -> memref<80x128xi32, #tpu.memory_space<hbm>>
        tpu.enqueue_dma source(%dma_start3A_46 : memref<80x128xi32, #tpu.memory_space<hbm>>) target(%arg14 : memref<80x128xi32, #tpu.memory_space<vmem>>) target_semaphore(%run_scoped3A_41 : memref<!tpu.dma_semaphore, #tpu.memory_space<semaphore_mem>>)
        %dma_wait3A = arith.constant 0 : i32
        %dma_wait3A_47 = tpu.memref_slice %arg2[%run_scoped3A_40, %mul3A_2, %dma_wait3A] : memref<2x2504x128xi32, #tpu.memory_space<hbm>> -> memref<1x80x128xi32, #tpu.memory_space<hbm>>
        %dma_wait3A_48 = tpu.memref_squeeze %dma_wait3A_47 : memref<1x80x128xi32, #tpu.memory_space<hbm>> -> memref<80x128xi32, #tpu.memory_space<hbm>>
        %dma_wait3A_49 = arith.constant 0 : i32
        %dma_wait3A_50 = tpu.memref_slice %arg2[%run_scoped3A_40, %mul3A_2, %dma_wait3A_49] : memref<2x2504x128xi32, #tpu.memory_space<hbm>> -> memref<1x80x128xi32, #tpu.memory_space<hbm>>
        %dma_wait3A_51 = tpu.memref_squeeze %dma_wait3A_50 : memref<1x80x128xi32, #tpu.memory_space<hbm>> -> memref<80x128xi32, #tpu.memory_space<hbm>>
        tpu.wait_dma2 semaphore(%run_scoped3A_41 : memref<!tpu.dma_semaphore, #tpu.memory_space<semaphore_mem>>) src(%dma_wait3A_51 : memref<80x128xi32, #tpu.memory_space<hbm>>) dst(%arg14 : memref<80x128xi32, #tpu.memory_space<vmem>>)
        tpu.yield
      }) : () -> ()
    } else {
    }
    %eq3A = arith.constant 31 : i32
    %eq3A_5 = arith.cmpi eq, %add3A, %eq3A : i32
    %convert_element_type3A_6 = arith.extui %eq3A_5 : i1 to i32
    %cond3A_7 = arith.constant 0 : i32
    %cond3A_8 = arith.cmpi ne, %convert_element_type3A_6, %cond3A_7 : i32
    scf.if %cond3A_8 {
      %run_scoped3A = arith.constant 0 : i32
      "tpu.region"() ({
        %run_scoped3A_424 = tpu.sem_alloc : memref<!tpu.dma_semaphore, #tpu.memory_space<semaphore_mem>>
        %dma_start3A = arith.constant 0 : i32
        %dma_start3A_425 = arith.constant 0 : i32
        %dma_start3A_426 = tpu.memref_slice %arg13[%dma_start3A, %dma_start3A_425] : memref<80x128xi32, #tpu.memory_space<vmem>> -> memref<24x128xi32, #tpu.memory_space<vmem>>
        %dma_start3A_427 = arith.constant 2480 : i32
        %dma_start3A_428 = arith.constant 0 : i32
        %dma_start3A_429 = tpu.memref_slice %arg2[%run_scoped3A, %dma_start3A_427, %dma_start3A_428] : memref<2x2504x128xi32, #tpu.memory_space<hbm>> -> memref<1x24x128xi32, #tpu.memory_space<hbm>>
        %dma_start3A_430 = tpu.memref_squeeze %dma_start3A_429 : memref<1x24x128xi32, #tpu.memory_space<hbm>> -> memref<24x128xi32, #tpu.memory_space<hbm>>
        %dma_start3A_431 = arith.constant 0 : i32
        %dma_start3A_432 = arith.constant 0 : i32
        %dma_start3A_433 = tpu.memref_slice %arg13[%dma_start3A_431, %dma_start3A_432] : memref<80x128xi32, #tpu.memory_space<vmem>> -> memref<24x128xi32, #tpu.memory_space<vmem>>
        %dma_start3A_434 = arith.constant 2480 : i32
        %dma_start3A_435 = arith.constant 0 : i32
        %dma_start3A_436 = tpu.memref_slice %arg2[%run_scoped3A, %dma_start3A_434, %dma_start3A_435] : memref<2x2504x128xi32, #tpu.memory_space<hbm>> -> memref<1x24x128xi32, #tpu.memory_space<hbm>>
        %dma_start3A_437 = tpu.memref_squeeze %dma_start3A_436 : memref<1x24x128xi32, #tpu.memory_space<hbm>> -> memref<24x128xi32, #tpu.memory_space<hbm>>
        tpu.enqueue_dma source(%dma_start3A_437 : memref<24x128xi32, #tpu.memory_space<hbm>>) target(%dma_start3A_433 : memref<24x128xi32, #tpu.memory_space<vmem>>) target_semaphore(%run_scoped3A_424 : memref<!tpu.dma_semaphore, #tpu.memory_space<semaphore_mem>>)
        %dma_wait3A = arith.constant 0 : i32
        %dma_wait3A_438 = arith.constant 0 : i32
        %dma_wait3A_439 = tpu.memref_slice %arg13[%dma_wait3A, %dma_wait3A_438] : memref<80x128xi32, #tpu.memory_space<vmem>> -> memref<24x128xi32, #tpu.memory_space<vmem>>
        %dma_wait3A_440 = arith.constant 2480 : i32
        %dma_wait3A_441 = arith.constant 0 : i32
        %dma_wait3A_442 = tpu.memref_slice %arg2[%run_scoped3A, %dma_wait3A_440, %dma_wait3A_441] : memref<2x2504x128xi32, #tpu.memory_space<hbm>> -> memref<1x24x128xi32, #tpu.memory_space<hbm>>
        %dma_wait3A_443 = tpu.memref_squeeze %dma_wait3A_442 : memref<1x24x128xi32, #tpu.memory_space<hbm>> -> memref<24x128xi32, #tpu.memory_space<hbm>>
        %dma_wait3A_444 = arith.constant 0 : i32
        %dma_wait3A_445 = arith.constant 0 : i32
        %dma_wait3A_446 = tpu.memref_slice %arg13[%dma_wait3A_444, %dma_wait3A_445] : memref<80x128xi32, #tpu.memory_space<vmem>> -> memref<24x128xi32, #tpu.memory_space<vmem>>
        %dma_wait3A_447 = arith.constant 2480 : i32
        %dma_wait3A_448 = arith.constant 0 : i32
        %dma_wait3A_449 = tpu.memref_slice %arg2[%run_scoped3A, %dma_wait3A_447, %dma_wait3A_448] : memref<2x2504x128xi32, #tpu.memory_space<hbm>> -> memref<1x24x128xi32, #tpu.memory_space<hbm>>
        %dma_wait3A_450 = tpu.memref_squeeze %dma_wait3A_449 : memref<1x24x128xi32, #tpu.memory_space<hbm>> -> memref<24x128xi32, #tpu.memory_space<hbm>>
        tpu.wait_dma2 semaphore(%run_scoped3A_424 : memref<!tpu.dma_semaphore, #tpu.memory_space<semaphore_mem>>) src(%dma_wait3A_450 : memref<24x128xi32, #tpu.memory_space<hbm>>) dst(%dma_wait3A_446 : memref<24x128xi32, #tpu.memory_space<vmem>>)
        tpu.yield
      }) : () -> ()
      %run_scoped3A_40 = arith.constant 1 : i32
      "tpu.region"() ({
        %run_scoped3A_424 = tpu.sem_alloc : memref<!tpu.dma_semaphore, #tpu.memory_space<semaphore_mem>>
        %dma_start3A = arith.constant 0 : i32
        %dma_start3A_425 = arith.constant 0 : i32
        %dma_start3A_426 = tpu.memref_slice %arg14[%dma_start3A, %dma_start3A_425] : memref<80x128xi32, #tpu.memory_space<vmem>> -> memref<24x128xi32, #tpu.memory_space<vmem>>
        %dma_start3A_427 = arith.constant 2480 : i32
        %dma_start3A_428 = arith.constant 0 : i32
        %dma_start3A_429 = tpu.memref_slice %arg2[%run_scoped3A_40, %dma_start3A_427, %dma_start3A_428] : memref<2x2504x128xi32, #tpu.memory_space<hbm>> -> memref<1x24x128xi32, #tpu.memory_space<hbm>>
        %dma_start3A_430 = tpu.memref_squeeze %dma_start3A_429 : memref<1x24x128xi32, #tpu.memory_space<hbm>> -> memref<24x128xi32, #tpu.memory_space<hbm>>
        %dma_start3A_431 = arith.constant 0 : i32
        %dma_start3A_432 = arith.constant 0 : i32
        %dma_start3A_433 = tpu.memref_slice %arg14[%dma_start3A_431, %dma_start3A_432] : memref<80x128xi32, #tpu.memory_space<vmem>> -> memref<24x128xi32, #tpu.memory_space<vmem>>
        %dma_start3A_434 = arith.constant 2480 : i32
        %dma_start3A_435 = arith.constant 0 : i32
        %dma_start3A_436 = tpu.memref_slice %arg2[%run_scoped3A_40, %dma_start3A_434, %dma_start3A_435] : memref<2x2504x128xi32, #tpu.memory_space<hbm>> -> memref<1x24x128xi32, #tpu.memory_space<hbm>>
        %dma_start3A_437 = tpu.memref_squeeze %dma_start3A_436 : memref<1x24x128xi32, #tpu.memory_space<hbm>> -> memref<24x128xi32, #tpu.memory_space<hbm>>
        tpu.enqueue_dma source(%dma_start3A_437 : memref<24x128xi32, #tpu.memory_space<hbm>>) target(%dma_start3A_433 : memref<24x128xi32, #tpu.memory_space<vmem>>) target_semaphore(%run_scoped3A_424 : memref<!tpu.dma_semaphore, #tpu.memory_space<semaphore_mem>>)
        %dma_wait3A = arith.constant 0 : i32
        %dma_wait3A_438 = arith.constant 0 : i32
        %dma_wait3A_439 = tpu.memref_slice %arg14[%dma_wait3A, %dma_wait3A_438] : memref<80x128xi32, #tpu.memory_space<vmem>> -> memref<24x128xi32, #tpu.memory_space<vmem>>
        %dma_wait3A_440 = arith.constant 2480 : i32
        %dma_wait3A_441 = arith.constant 0 : i32
        %dma_wait3A_442 = tpu.memref_slice %arg2[%run_scoped3A_40, %dma_wait3A_440, %dma_wait3A_441] : memref<2x2504x128xi32, #tpu.memory_space<hbm>> -> memref<1x24x128xi32, #tpu.memory_space<hbm>>
        %dma_wait3A_443 = tpu.memref_squeeze %dma_wait3A_442 : memref<1x24x128xi32, #tpu.memory_space<hbm>> -> memref<24x128xi32, #tpu.memory_space<hbm>>
        %dma_wait3A_444 = arith.constant 0 : i32
        %dma_wait3A_445 = arith.constant 0 : i32
        %dma_wait3A_446 = tpu.memref_slice %arg14[%dma_wait3A_444, %dma_wait3A_445] : memref<80x128xi32, #tpu.memory_space<vmem>> -> memref<24x128xi32, #tpu.memory_space<vmem>>
        %dma_wait3A_447 = arith.constant 2480 : i32
        %dma_wait3A_448 = arith.constant 0 : i32
        %dma_wait3A_449 = tpu.memref_slice %arg2[%run_scoped3A_40, %dma_wait3A_447, %dma_wait3A_448] : memref<2x2504x128xi32, #tpu.memory_space<hbm>> -> memref<1x24x128xi32, #tpu.memory_space<hbm>>
        %dma_wait3A_450 = tpu.memref_squeeze %dma_wait3A_449 : memref<1x24x128xi32, #tpu.memory_space<hbm>> -> memref<24x128xi32, #tpu.memory_space<hbm>>
        tpu.wait_dma2 semaphore(%run_scoped3A_424 : memref<!tpu.dma_semaphore, #tpu.memory_space<semaphore_mem>>) src(%dma_wait3A_450 : memref<24x128xi32, #tpu.memory_space<hbm>>) dst(%dma_wait3A_446 : memref<24x128xi32, #tpu.memory_space<vmem>>)
        tpu.yield
      }) : () -> ()
      "tpu.region"() ({
        %run_scoped3A_424 = tpu.sem_alloc : memref<!tpu.dma_semaphore, #tpu.memory_space<semaphore_mem>>
        %dma_start3A = arith.constant 24 : i32
        %dma_start3A_425 = arith.constant 0 : i32
        %dma_start3A_426 = tpu.memref_slice %arg13[%dma_start3A, %dma_start3A_425] : memref<80x128xi32, #tpu.memory_space<vmem>> -> memref<56x128xi32, #tpu.memory_space<vmem>>
        %dma_start3A_427 = arith.constant 0 : i32
        %dma_start3A_428 = arith.constant 0 : i32
        %dma_start3A_429 = tpu.memref_slice %arg3[%dma_start3A_427, %dma_start3A_428] : memref<64x128xi32, #tpu.memory_space<hbm>> -> memref<56x128xi32, #tpu.memory_space<hbm>>
        %dma_start3A_430 = arith.constant 24 : i32
        %dma_start3A_431 = arith.constant 0 : i32
        %dma_start3A_432 = tpu.memref_slice %arg13[%dma_start3A_430, %dma_start3A_431] : memref<80x128xi32, #tpu.memory_space<vmem>> -> memref<56x128xi32, #tpu.memory_space<vmem>>
        %dma_start3A_433 = arith.constant 0 : i32
        %dma_start3A_434 = arith.constant 0 : i32
        %dma_start3A_435 = tpu.memref_slice %arg3[%dma_start3A_433, %dma_start3A_434] : memref<64x128xi32, #tpu.memory_space<hbm>> -> memref<56x128xi32, #tpu.memory_space<hbm>>
        tpu.enqueue_dma source(%dma_start3A_435 : memref<56x128xi32, #tpu.memory_space<hbm>>) target(%dma_start3A_432 : memref<56x128xi32, #tpu.memory_space<vmem>>) target_semaphore(%run_scoped3A_424 : memref<!tpu.dma_semaphore, #tpu.memory_space<semaphore_mem>>)
        %dma_wait3A = arith.constant 24 : i32
        %dma_wait3A_436 = arith.constant 0 : i32
        %dma_wait3A_437 = tpu.memref_slice %arg13[%dma_wait3A, %dma_wait3A_436] : memref<80x128xi32, #tpu.memory_space<vmem>> -> memref<56x128xi32, #tpu.memory_space<vmem>>
        %dma_wait3A_438 = arith.constant 0 : i32
        %dma_wait3A_439 = arith.constant 0 : i32
        %dma_wait3A_440 = tpu.memref_slice %arg3[%dma_wait3A_438, %dma_wait3A_439] : memref<64x128xi32, #tpu.memory_space<hbm>> -> memref<56x128xi32, #tpu.memory_space<hbm>>
        %dma_wait3A_441 = arith.constant 24 : i32
        %dma_wait3A_442 = arith.constant 0 : i32
        %dma_wait3A_443 = tpu.memref_slice %arg13[%dma_wait3A_441, %dma_wait3A_442] : memref<80x128xi32, #tpu.memory_space<vmem>> -> memref<56x128xi32, #tpu.memory_space<vmem>>
        %dma_wait3A_444 = arith.constant 0 : i32
        %dma_wait3A_445 = arith.constant 0 : i32
        %dma_wait3A_446 = tpu.memref_slice %arg3[%dma_wait3A_444, %dma_wait3A_445] : memref<64x128xi32, #tpu.memory_space<hbm>> -> memref<56x128xi32, #tpu.memory_space<hbm>>
        tpu.wait_dma2 semaphore(%run_scoped3A_424 : memref<!tpu.dma_semaphore, #tpu.memory_space<semaphore_mem>>) src(%dma_wait3A_446 : memref<56x128xi32, #tpu.memory_space<hbm>>) dst(%dma_wait3A_443 : memref<56x128xi32, #tpu.memory_space<vmem>>)
        tpu.yield
      }) : () -> ()
      "tpu.region"() ({
        %run_scoped3A_424 = tpu.sem_alloc : memref<!tpu.dma_semaphore, #tpu.memory_space<semaphore_mem>>
        %dma_start3A = arith.constant 24 : i32
        %dma_start3A_425 = arith.constant 0 : i32
        %dma_start3A_426 = tpu.memref_slice %arg14[%dma_start3A, %dma_start3A_425] : memref<80x128xi32, #tpu.memory_space<vmem>> -> memref<56x128xi32, #tpu.memory_space<vmem>>
        %dma_start3A_427 = arith.constant 0 : i32
        %dma_start3A_428 = arith.constant 0 : i32
        %dma_start3A_429 = tpu.memref_slice %arg4[%dma_start3A_427, %dma_start3A_428] : memref<64x128xi32, #tpu.memory_space<hbm>> -> memref<56x128xi32, #tpu.memory_space<hbm>>
        %dma_start3A_430 = arith.constant 24 : i32
        %dma_start3A_431 = arith.constant 0 : i32
        %dma_start3A_432 = tpu.memref_slice %arg14[%dma_start3A_430, %dma_start3A_431] : memref<80x128xi32, #tpu.memory_space<vmem>> -> memref<56x128xi32, #tpu.memory_space<vmem>>
        %dma_start3A_433 = arith.constant 0 : i32
        %dma_start3A_434 = arith.constant 0 : i32
        %dma_start3A_435 = tpu.memref_slice %arg4[%dma_start3A_433, %dma_start3A_434] : memref<64x128xi32, #tpu.memory_space<hbm>> -> memref<56x128xi32, #tpu.memory_space<hbm>>
        tpu.enqueue_dma source(%dma_start3A_435 : memref<56x128xi32, #tpu.memory_space<hbm>>) target(%dma_start3A_432 : memref<56x128xi32, #tpu.memory_space<vmem>>) target_semaphore(%run_scoped3A_424 : memref<!tpu.dma_semaphore, #tpu.memory_space<semaphore_mem>>)
        %dma_wait3A = arith.constant 24 : i32
        %dma_wait3A_436 = arith.constant 0 : i32
        %dma_wait3A_437 = tpu.memref_slice %arg14[%dma_wait3A, %dma_wait3A_436] : memref<80x128xi32, #tpu.memory_space<vmem>> -> memref<56x128xi32, #tpu.memory_space<vmem>>
        %dma_wait3A_438 = arith.constant 0 : i32
        %dma_wait3A_439 = arith.constant 0 : i32
        %dma_wait3A_440 = tpu.memref_slice %arg4[%dma_wait3A_438, %dma_wait3A_439] : memref<64x128xi32, #tpu.memory_space<hbm>> -> memref<56x128xi32, #tpu.memory_space<hbm>>
        %dma_wait3A_441 = arith.constant 24 : i32
        %dma_wait3A_442 = arith.constant 0 : i32
        %dma_wait3A_443 = tpu.memref_slice %arg14[%dma_wait3A_441, %dma_wait3A_442] : memref<80x128xi32, #tpu.memory_space<vmem>> -> memref<56x128xi32, #tpu.memory_space<vmem>>
        %dma_wait3A_444 = arith.constant 0 : i32
        %dma_wait3A_445 = arith.constant 0 : i32
        %dma_wait3A_446 = tpu.memref_slice %arg4[%dma_wait3A_444, %dma_wait3A_445] : memref<64x128xi32, #tpu.memory_space<hbm>> -> memref<56x128xi32, #tpu.memory_space<hbm>>
        tpu.wait_dma2 semaphore(%run_scoped3A_424 : memref<!tpu.dma_semaphore, #tpu.memory_space<semaphore_mem>>) src(%dma_wait3A_446 : memref<56x128xi32, #tpu.memory_space<hbm>>) dst(%dma_wait3A_443 : memref<56x128xi32, #tpu.memory_space<vmem>>)
        tpu.yield
      }) : () -> ()
      %broadcast_in_dim3A_41 = arith.constant 0 : i32
      %broadcast_in_dim3A_42 = vector.broadcast %broadcast_in_dim3A_41 : i32 to vector<16xi32>
      %swap3A = arith.constant 20 : i32
      %swap3A_43 = arith.index_cast %swap3A : i32 to index
      %swap3A_44 = arith.constant 0 : index
      %swap3A_45 = tpu.vector_load %arg13[%swap3A_43, %swap3A_44] {strides = array<i32>} : memref<80x128xi32, #tpu.memory_space<vmem>>, vector<16xi32>,
      tpu.vector_store %arg13[%swap3A_43, %swap3A_44], %broadcast_in_dim3A_42 {strides = array<i32>} : memref<80x128xi32, #tpu.memory_space<vmem>>, vector<16xi32>,
      %broadcast_in_dim3A_46 = arith.constant 10112 : i32
      %broadcast_in_dim3A_47 = vector.broadcast %broadcast_in_dim3A_46 : i32 to vector<16xi32>
      %swap3A_48 = arith.constant 20 : i32
      %swap3A_49 = arith.index_cast %swap3A_48 : i32 to index
      %swap3A_50 = arith.constant 0 : index
      %swap3A_51 = tpu.vector_load %arg14[%swap3A_49, %swap3A_50] {strides = array<i32>} : memref<80x128xi32, #tpu.memory_space<vmem>>, vector<16xi32>,
      tpu.vector_store %arg14[%swap3A_49, %swap3A_50], %broadcast_in_dim3A_47 {strides = array<i32>} : memref<80x128xi32, #tpu.memory_space<vmem>>, vector<16xi32>,
      %broadcast_in_dim3A_52 = arith.constant 0 : i32
      %broadcast_in_dim3A_53 = vector.broadcast %broadcast_in_dim3A_52 : i32 to vector<16xi32>
      %swap3A_54 = arith.constant 20 : i32
      %swap3A_55 = arith.index_cast %swap3A_54 : i32 to index
      %swap3A_56 = arith.constant 16 : index
      %swap3A_57 = tpu.vector_load %arg13[%swap3A_55, %swap3A_56] {strides = array<i32>} : memref<80x128xi32, #tpu.memory_space<vmem>>, vector<16xi32>,
      tpu.vector_store %arg13[%swap3A_55, %swap3A_56], %broadcast_in_dim3A_53 {strides = array<i32>} : memref<80x128xi32, #tpu.memory_space<vmem>>, vector<16xi32>,
      %broadcast_in_dim3A_58 = arith.constant 10113 : i32
      %broadcast_in_dim3A_59 = vector.broadcast %broadcast_in_dim3A_58 : i32 to vector<16xi32>
      %swap3A_60 = arith.constant 20 : i32
      %swap3A_61 = arith.index_cast %swap3A_60 : i32 to index
      %swap3A_62 = arith.constant 16 : index
      %swap3A_63 = tpu.vector_load %arg14[%swap3A_61, %swap3A_62] {strides = array<i32>} : memref<80x128xi32, #tpu.memory_space<vmem>>, vector<16xi32>,
      tpu.vector_store %arg14[%swap3A_61, %swap3A_62], %broadcast_in_dim3A_59 {strides = array<i32>} : memref<80x128xi32, #tpu.memory_space<vmem>>, vector<16xi32>,
      %broadcast_in_dim3A_64 = arith.constant 0 : i32
      %broadcast_in_dim3A_65 = vector.broadcast %broadcast_in_dim3A_64 : i32 to vector<16xi32>
      %swap3A_66 = arith.constant 20 : i32
      %swap3A_67 = arith.index_cast %swap3A_66 : i32 to index
      %swap3A_68 = arith.constant 32 : index
      %swap3A_69 = tpu.vector_load %arg13[%swap3A_67, %swap3A_68] {strides = array<i32>} : memref<80x128xi32, #tpu.memory_space<vmem>>, vector<16xi32>,
      tpu.vector_store %arg13[%swap3A_67, %swap3A_68], %broadcast_in_dim3A_65 {strides = array<i32>} : memref<80x128xi32, #tpu.memory_space<vmem>>, vector<16xi32>,
      %broadcast_in_dim3A_70 = arith.constant 10114 : i32
      %broadcast_in_dim3A_71 = vector.broadcast %broadcast_in_dim3A_70 : i32 to vector<16xi32>
      %swap3A_72 = arith.constant 20 : i32
      %swap3A_73 = arith.index_cast %swap3A_72 : i32 to index
      %swap3A_74 = arith.constant 32 : index
      %swap3A_75 = tpu.vector_load %arg14[%swap3A_73, %swap3A_74] {strides = array<i32>} : memref<80x128xi32, #tpu.memory_space<vmem>>, vector<16xi32>,
      tpu.vector_store %arg14[%swap3A_73, %swap3A_74], %broadcast_in_dim3A_71 {strides = array<i32>} : memref<80x128xi32, #tpu.memory_space<vmem>>, vector<16xi32>,
      %broadcast_in_dim3A_76 = arith.constant 0 : i32
      %broadcast_in_dim3A_77 = vector.broadcast %broadcast_in_dim3A_76 : i32 to vector<16xi32>
      %swap3A_78 = arith.constant 20 : i32
      %swap3A_79 = arith.index_cast %swap3A_78 : i32 to index
      %swap3A_80 = arith.constant 48 : index
      %swap3A_81 = tpu.vector_load %arg13[%swap3A_79, %swap3A_80] {strides = array<i32>} : memref<80x128xi32, #tpu.memory_space<vmem>>, vector<16xi32>,
      tpu.vector_store %arg13[%swap3A_79, %swap3A_80], %broadcast_in_dim3A_77 {strides = array<i32>} : memref<80x128xi32, #tpu.memory_space<vmem>>, vector<16xi32>,
      %broadcast_in_dim3A_82 = arith.constant 10115 : i32
      %broadcast_in_dim3A_83 = vector.broadcast %broadcast_in_dim3A_82 : i32 to vector<16xi32>
      %swap3A_84 = arith.constant 20 : i32
      %swap3A_85 = arith.index_cast %swap3A_84 : i32 to index
      %swap3A_86 = arith.constant 48 : index
      %swap3A_87 = tpu.vector_load %arg14[%swap3A_85, %swap3A_86] {strides = array<i32>} : memref<80x128xi32, #tpu.memory_space<vmem>>, vector<16xi32>,
      tpu.vector_store %arg14[%swap3A_85, %swap3A_86], %broadcast_in_dim3A_83 {strides = array<i32>} : memref<80x128xi32, #tpu.memory_space<vmem>>, vector<16xi32>,
      %broadcast_in_dim3A_88 = arith.constant 0 : i32
      %broadcast_in_dim3A_89 = vector.broadcast %broadcast_in_dim3A_88 : i32 to vector<16xi32>
      %swap3A_90 = arith.constant 20 : i32
      %swap3A_91 = arith.index_cast %swap3A_90 : i32 to index
      %swap3A_92 = arith.constant 64 : index
      %swap3A_93 = tpu.vector_load %arg13[%swap3A_91, %swap3A_92] {strides = array<i32>} : memref<80x128xi32, #tpu.memory_space<vmem>>, vector<16xi32>,
      tpu.vector_store %arg13[%swap3A_91, %swap3A_92], %broadcast_in_dim3A_89 {strides = array<i32>} : memref<80x128xi32, #tpu.memory_space<vmem>>, vector<16xi32>,
      %broadcast_in_dim3A_94 = arith.constant 10116 : i32
      %broadcast_in_dim3A_95 = vector.broadcast %broadcast_in_dim3A_94 : i32 to vector<16xi32>
      %swap3A_96 = arith.constant 20 : i32
      %swap3A_97 = arith.index_cast %swap3A_96 : i32 to index
      %swap3A_98 = arith.constant 64 : index
      %swap3A_99 = tpu.vector_load %arg14[%swap3A_97, %swap3A_98] {strides = array<i32>} : memref<80x128xi32, #tpu.memory_space<vmem>>, vector<16xi32>,
      tpu.vector_store %arg14[%swap3A_97, %swap3A_98], %broadcast_in_dim3A_95 {strides = array<i32>} : memref<80x128xi32, #tpu.memory_space<vmem>>, vector<16xi32>,
      %broadcast_in_dim3A_100 = arith.constant 0 : i32
      %broadcast_in_dim3A_101 = vector.broadcast %broadcast_in_dim3A_100 : i32 to vector<16xi32>
      %swap3A_102 = arith.constant 20 : i32
      %swap3A_103 = arith.index_cast %swap3A_102 : i32 to index
      %swap3A_104 = arith.constant 80 : index
      %swap3A_105 = tpu.vector_load %arg13[%swap3A_103, %swap3A_104] {strides = array<i32>} : memref<80x128xi32, #tpu.memory_space<vmem>>, vector<16xi32>,
      tpu.vector_store %arg13[%swap3A_103, %swap3A_104], %broadcast_in_dim3A_101 {strides = array<i32>} : memref<80x128xi32, #tpu.memory_space<vmem>>, vector<16xi32>,
      %broadcast_in_dim3A_106 = arith.constant 10117 : i32
      %broadcast_in_dim3A_107 = vector.broadcast %broadcast_in_dim3A_106 : i32 to vector<16xi32>
      %swap3A_108 = arith.constant 20 : i32
      %swap3A_109 = arith.index_cast %swap3A_108 : i32 to index
      %swap3A_110 = arith.constant 80 : index
      %swap3A_111 = tpu.vector_load %arg14[%swap3A_109, %swap3A_110] {strides = array<i32>} : memref<80x128xi32, #tpu.memory_space<vmem>>, vector<16xi32>,
      tpu.vector_store %arg14[%swap3A_109, %swap3A_110], %broadcast_in_dim3A_107 {strides = array<i32>} : memref<80x128xi32, #tpu.memory_space<vmem>>, vector<16xi32>,
      %broadcast_in_dim3A_112 = arith.constant 0 : i32
      %broadcast_in_dim3A_113 = vector.broadcast %broadcast_in_dim3A_112 : i32 to vector<16xi32>
      %swap3A_114 = arith.constant 20 : i32
      %swap3A_115 = arith.index_cast %swap3A_114 : i32 to index
      %swap3A_116 = arith.constant 96 : index
      %swap3A_117 = tpu.vector_load %arg13[%swap3A_115, %swap3A_116] {strides = array<i32>} : memref<80x128xi32, #tpu.memory_space<vmem>>, vector<16xi32>,
      tpu.vector_store %arg13[%swap3A_115, %swap3A_116], %broadcast_in_dim3A_113 {strides = array<i32>} : memref<80x128xi32, #tpu.memory_space<vmem>>, vector<16xi32>,
      %broadcast_in_dim3A_118 = arith.constant 10118 : i32
      %broadcast_in_dim3A_119 = vector.broadcast %broadcast_in_dim3A_118 : i32 to vector<16xi32>
      %swap3A_120 = arith.constant 20 : i32
      %swap3A_121 = arith.index_cast %swap3A_120 : i32 to index
      %swap3A_122 = arith.constant 96 : index
      %swap3A_123 = tpu.vector_load %arg14[%swap3A_121, %swap3A_122] {strides = array<i32>} : memref<80x128xi32, #tpu.memory_space<vmem>>, vector<16xi32>,
      tpu.vector_store %arg14[%swap3A_121, %swap3A_122], %broadcast_in_dim3A_119 {strides = array<i32>} : memref<80x128xi32, #tpu.memory_space<vmem>>, vector<16xi32>,
      %broadcast_in_dim3A_124 = arith.constant 0 : i32
      %broadcast_in_dim3A_125 = vector.broadcast %broadcast_in_dim3A_124 : i32 to vector<16xi32>
      %swap3A_126 = arith.constant 20 : i32
      %swap3A_127 = arith.index_cast %swap3A_126 : i32 to index
      %swap3A_128 = arith.constant 112 : index
      %swap3A_129 = tpu.vector_load %arg13[%swap3A_127, %swap3A_128] {strides = array<i32>} : memref<80x128xi32, #tpu.memory_space<vmem>>, vector<16xi32>,
      tpu.vector_store %arg13[%swap3A_127, %swap3A_128], %broadcast_in_dim3A_125 {strides = array<i32>} : memref<80x128xi32, #tpu.memory_space<vmem>>, vector<16xi32>,
      %broadcast_in_dim3A_130 = arith.constant 10119 : i32
      %broadcast_in_dim3A_131 = vector.broadcast %broadcast_in_dim3A_130 : i32 to vector<16xi32>
      %swap3A_132 = arith.constant 20 : i32
      %swap3A_133 = arith.index_cast %swap3A_132 : i32 to index
      %swap3A_134 = arith.constant 112 : index
      %swap3A_135 = tpu.vector_load %arg14[%swap3A_133, %swap3A_134] {strides = array<i32>} : memref<80x128xi32, #tpu.memory_space<vmem>>, vector<16xi32>,
      tpu.vector_store %arg14[%swap3A_133, %swap3A_134], %broadcast_in_dim3A_131 {strides = array<i32>} : memref<80x128xi32, #tpu.memory_space<vmem>>, vector<16xi32>,
      %broadcast_in_dim3A_136 = arith.constant 0 : i32
      %broadcast_in_dim3A_137 = vector.broadcast %broadcast_in_dim3A_136 : i32 to vector<16xi32>
      %swap3A_138 = arith.constant 21 : i32
      %swap3A_139 = arith.index_cast %swap3A_138 : i32 to index
      %swap3A_140 = arith.constant 0 : index
      %swap3A_141 = tpu.vector_load %arg13[%swap3A_139, %swap3A_140] {strides = array<i32>} : memref<80x128xi32, #tpu.memory_space<vmem>>, vector<16xi32>,
      tpu.vector_store %arg13[%swap3A_139, %swap3A_140], %broadcast_in_dim3A_137 {strides = array<i32>} : memref<80x128xi32, #tpu.memory_space<vmem>>, vector<16xi32>,
      %broadcast_in_dim3A_142 = arith.constant 10120 : i32
      %broadcast_in_dim3A_143 = vector.broadcast %broadcast_in_dim3A_142 : i32 to vector<16xi32>
      %swap3A_144 = arith.constant 21 : i32
      %swap3A_145 = arith.index_cast %swap3A_144 : i32 to index
      %swap3A_146 = arith.constant 0 : index
      %swap3A_147 = tpu.vector_load %arg14[%swap3A_145, %swap3A_146] {strides = array<i32>} : memref<80x128xi32, #tpu.memory_space<vmem>>, vector<16xi32>,
      tpu.vector_store %arg14[%swap3A_145, %swap3A_146], %broadcast_in_dim3A_143 {strides = array<i32>} : memref<80x128xi32, #tpu.memory_space<vmem>>, vector<16xi32>,
      %broadcast_in_dim3A_148 = arith.constant 0 : i32
      %broadcast_in_dim3A_149 = vector.broadcast %broadcast_in_dim3A_148 : i32 to vector<16xi32>
      %swap3A_150 = arith.constant 21 : i32
      %swap3A_151 = arith.index_cast %swap3A_150 : i32 to index
      %swap3A_152 = arith.constant 16 : index
      %swap3A_153 = tpu.vector_load %arg13[%swap3A_151, %swap3A_152] {strides = array<i32>} : memref<80x128xi32, #tpu.memory_space<vmem>>, vector<16xi32>,
      tpu.vector_store %arg13[%swap3A_151, %swap3A_152], %broadcast_in_dim3A_149 {strides = array<i32>} : memref<80x128xi32, #tpu.memory_space<vmem>>, vector<16xi32>,
      %broadcast_in_dim3A_154 = arith.constant 10121 : i32
      %broadcast_in_dim3A_155 = vector.broadcast %broadcast_in_dim3A_154 : i32 to vector<16xi32>
      %swap3A_156 = arith.constant 21 : i32
      %swap3A_157 = arith.index_cast %swap3A_156 : i32 to index
      %swap3A_158 = arith.constant 16 : index
      %swap3A_159 = tpu.vector_load %arg14[%swap3A_157, %swap3A_158] {strides = array<i32>} : memref<80x128xi32, #tpu.memory_space<vmem>>, vector<16xi32>,
      tpu.vector_store %arg14[%swap3A_157, %swap3A_158], %broadcast_in_dim3A_155 {strides = array<i32>} : memref<80x128xi32, #tpu.memory_space<vmem>>, vector<16xi32>,
      %broadcast_in_dim3A_160 = arith.constant 0 : i32
      %broadcast_in_dim3A_161 = vector.broadcast %broadcast_in_dim3A_160 : i32 to vector<16xi32>
      %swap3A_162 = arith.constant 21 : i32
      %swap3A_163 = arith.index_cast %swap3A_162 : i32 to index
      %swap3A_164 = arith.constant 32 : index
      %swap3A_165 = tpu.vector_load %arg13[%swap3A_163, %swap3A_164] {strides = array<i32>} : memref<80x128xi32, #tpu.memory_space<vmem>>, vector<16xi32>,
      tpu.vector_store %arg13[%swap3A_163, %swap3A_164], %broadcast_in_dim3A_161 {strides = array<i32>} : memref<80x128xi32, #tpu.memory_space<vmem>>, vector<16xi32>,
      %broadcast_in_dim3A_166 = arith.constant 10122 : i32
      %broadcast_in_dim3A_167 = vector.broadcast %broadcast_in_dim3A_166 : i32 to vector<16xi32>
      %swap3A_168 = arith.constant 21 : i32
      %swap3A_169 = arith.index_cast %swap3A_168 : i32 to index
      %swap3A_170 = arith.constant 32 : index
      %swap3A_171 = tpu.vector_load %arg14[%swap3A_169, %swap3A_170] {strides = array<i32>} : memref<80x128xi32, #tpu.memory_space<vmem>>, vector<16xi32>,
      tpu.vector_store %arg14[%swap3A_169, %swap3A_170], %broadcast_in_dim3A_167 {strides = array<i32>} : memref<80x128xi32, #tpu.memory_space<vmem>>, vector<16xi32>,
      %broadcast_in_dim3A_172 = arith.constant 0 : i32
      %broadcast_in_dim3A_173 = vector.broadcast %broadcast_in_dim3A_172 : i32 to vector<16xi32>
      %swap3A_174 = arith.constant 21 : i32
      %swap3A_175 = arith.index_cast %swap3A_174 : i32 to index
      %swap3A_176 = arith.constant 48 : index
      %swap3A_177 = tpu.vector_load %arg13[%swap3A_175, %swap3A_176] {strides = array<i32>} : memref<80x128xi32, #tpu.memory_space<vmem>>, vector<16xi32>,
      tpu.vector_store %arg13[%swap3A_175, %swap3A_176], %broadcast_in_dim3A_173 {strides = array<i32>} : memref<80x128xi32, #tpu.memory_space<vmem>>, vector<16xi32>,
      %broadcast_in_dim3A_178 = arith.constant 10123 : i32
      %broadcast_in_dim3A_179 = vector.broadcast %broadcast_in_dim3A_178 : i32 to vector<16xi32>
      %swap3A_180 = arith.constant 21 : i32
      %swap3A_181 = arith.index_cast %swap3A_180 : i32 to index
      %swap3A_182 = arith.constant 48 : index
      %swap3A_183 = tpu.vector_load %arg14[%swap3A_181, %swap3A_182] {strides = array<i32>} : memref<80x128xi32, #tpu.memory_space<vmem>>, vector<16xi32>,
      tpu.vector_store %arg14[%swap3A_181, %swap3A_182], %broadcast_in_dim3A_179 {strides = array<i32>} : memref<80x128xi32, #tpu.memory_space<vmem>>, vector<16xi32>,
      %broadcast_in_dim3A_184 = arith.constant 0 : i32
      %broadcast_in_dim3A_185 = vector.broadcast %broadcast_in_dim3A_184 : i32 to vector<16xi32>
      %swap3A_186 = arith.constant 21 : i32
      %swap3A_187 = arith.index_cast %swap3A_186 : i32 to index
      %swap3A_188 = arith.constant 64 : index
      %swap3A_189 = tpu.vector_load %arg13[%swap3A_187, %swap3A_188] {strides = array<i32>} : memref<80x128xi32, #tpu.memory_space<vmem>>, vector<16xi32>,
      tpu.vector_store %arg13[%swap3A_187, %swap3A_188], %broadcast_in_dim3A_185 {strides = array<i32>} : memref<80x128xi32, #tpu.memory_space<vmem>>, vector<16xi32>,
      %broadcast_in_dim3A_190 = arith.constant 10124 : i32
      %broadcast_in_dim3A_191 = vector.broadcast %broadcast_in_dim3A_190 : i32 to vector<16xi32>
      %swap3A_192 = arith.constant 21 : i32
      %swap3A_193 = arith.index_cast %swap3A_192 : i32 to index
      %swap3A_194 = arith.constant 64 : index
      %swap3A_195 = tpu.vector_load %arg14[%swap3A_193, %swap3A_194] {strides = array<i32>} : memref<80x128xi32, #tpu.memory_space<vmem>>, vector<16xi32>,
      tpu.vector_store %arg14[%swap3A_193, %swap3A_194], %broadcast_in_dim3A_191 {strides = array<i32>} : memref<80x128xi32, #tpu.memory_space<vmem>>, vector<16xi32>,
      %broadcast_in_dim3A_196 = arith.constant 0 : i32
      %broadcast_in_dim3A_197 = vector.broadcast %broadcast_in_dim3A_196 : i32 to vector<16xi32>
      %swap3A_198 = arith.constant 21 : i32
      %swap3A_199 = arith.index_cast %swap3A_198 : i32 to index
      %swap3A_200 = arith.constant 80 : index
      %swap3A_201 = tpu.vector_load %arg13[%swap3A_199, %swap3A_200] {strides = array<i32>} : memref<80x128xi32, #tpu.memory_space<vmem>>, vector<16xi32>,
      tpu.vector_store %arg13[%swap3A_199, %swap3A_200], %broadcast_in_dim3A_197 {strides = array<i32>} : memref<80x128xi32, #tpu.memory_space<vmem>>, vector<16xi32>,
      %broadcast_in_dim3A_202 = arith.constant 10125 : i32
      %broadcast_in_dim3A_203 = vector.broadcast %broadcast_in_dim3A_202 : i32 to vector<16xi32>
      %swap3A_204 = arith.constant 21 : i32
      %swap3A_205 = arith.index_cast %swap3A_204 : i32 to index
      %swap3A_206 = arith.constant 80 : index
      %swap3A_207 = tpu.vector_load %arg14[%swap3A_205, %swap3A_206] {strides = array<i32>} : memref<80x128xi32, #tpu.memory_space<vmem>>, vector<16xi32>,
      tpu.vector_store %arg14[%swap3A_205, %swap3A_206], %broadcast_in_dim3A_203 {strides = array<i32>} : memref<80x128xi32, #tpu.memory_space<vmem>>, vector<16xi32>,
      %broadcast_in_dim3A_208 = arith.constant 0 : i32
      %broadcast_in_dim3A_209 = vector.broadcast %broadcast_in_dim3A_208 : i32 to vector<16xi32>
      %swap3A_210 = arith.constant 21 : i32
      %swap3A_211 = arith.index_cast %swap3A_210 : i32 to index
      %swap3A_212 = arith.constant 96 : index
      %swap3A_213 = tpu.vector_load %arg13[%swap3A_211, %swap3A_212] {strides = array<i32>} : memref<80x128xi32, #tpu.memory_space<vmem>>, vector<16xi32>,
      tpu.vector_store %arg13[%swap3A_211, %swap3A_212], %broadcast_in_dim3A_209 {strides = array<i32>} : memref<80x128xi32, #tpu.memory_space<vmem>>, vector<16xi32>,
      %broadcast_in_dim3A_214 = arith.constant 10126 : i32
      %broadcast_in_dim3A_215 = vector.broadcast %broadcast_in_dim3A_214 : i32 to vector<16xi32>
      %swap3A_216 = arith.constant 21 : i32
      %swap3A_217 = arith.index_cast %swap3A_216 : i32 to index
      %swap3A_218 = arith.constant 96 : index
      %swap3A_219 = tpu.vector_load %arg14[%swap3A_217, %swap3A_218] {strides = array<i32>} : memref<80x128xi32, #tpu.memory_space<vmem>>, vector<16xi32>,
      tpu.vector_store %arg14[%swap3A_217, %swap3A_218], %broadcast_in_dim3A_215 {strides = array<i32>} : memref<80x128xi32, #tpu.memory_space<vmem>>, vector<16xi32>,
      %broadcast_in_dim3A_220 = arith.constant 0 : i32
      %broadcast_in_dim3A_221 = vector.broadcast %broadcast_in_dim3A_220 : i32 to vector<16xi32>
      %swap3A_222 = arith.constant 21 : i32
      %swap3A_223 = arith.index_cast %swap3A_222 : i32 to index
      %swap3A_224 = arith.constant 112 : index
      %swap3A_225 = tpu.vector_load %arg13[%swap3A_223, %swap3A_224] {strides = array<i32>} : memref<80x128xi32, #tpu.memory_space<vmem>>, vector<16xi32>,
      tpu.vector_store %arg13[%swap3A_223, %swap3A_224], %broadcast_in_dim3A_221 {strides = array<i32>} : memref<80x128xi32, #tpu.memory_space<vmem>>, vector<16xi32>,
      %broadcast_in_dim3A_226 = arith.constant 10127 : i32
      %broadcast_in_dim3A_227 = vector.broadcast %broadcast_in_dim3A_226 : i32 to vector<16xi32>
      %swap3A_228 = arith.constant 21 : i32
      %swap3A_229 = arith.index_cast %swap3A_228 : i32 to index
      %swap3A_230 = arith.constant 112 : index
      %swap3A_231 = tpu.vector_load %arg14[%swap3A_229, %swap3A_230] {strides = array<i32>} : memref<80x128xi32, #tpu.memory_space<vmem>>, vector<16xi32>,
      tpu.vector_store %arg14[%swap3A_229, %swap3A_230], %broadcast_in_dim3A_227 {strides = array<i32>} : memref<80x128xi32, #tpu.memory_space<vmem>>, vector<16xi32>,
      %broadcast_in_dim3A_232 = arith.constant 0 : i32
      %broadcast_in_dim3A_233 = vector.broadcast %broadcast_in_dim3A_232 : i32 to vector<16xi32>
      %swap3A_234 = arith.constant 22 : i32
      %swap3A_235 = arith.index_cast %swap3A_234 : i32 to index
      %swap3A_236 = arith.constant 0 : index
      %swap3A_237 = tpu.vector_load %arg13[%swap3A_235, %swap3A_236] {strides = array<i32>} : memref<80x128xi32, #tpu.memory_space<vmem>>, vector<16xi32>,
      tpu.vector_store %arg13[%swap3A_235, %swap3A_236], %broadcast_in_dim3A_233 {strides = array<i32>} : memref<80x128xi32, #tpu.memory_space<vmem>>, vector<16xi32>,
      %broadcast_in_dim3A_238 = arith.constant 10128 : i32
      %broadcast_in_dim3A_239 = vector.broadcast %broadcast_in_dim3A_238 : i32 to vector<16xi32>
      %swap3A_240 = arith.constant 22 : i32
      %swap3A_241 = arith.index_cast %swap3A_240 : i32 to index
      %swap3A_242 = arith.constant 0 : index
      %swap3A_243 = tpu.vector_load %arg14[%swap3A_241, %swap3A_242] {strides = array<i32>} : memref<80x128xi32, #tpu.memory_space<vmem>>, vector<16xi32>,
      tpu.vector_store %arg14[%swap3A_241, %swap3A_242], %broadcast_in_dim3A_239 {strides = array<i32>} : memref<80x128xi32, #tpu.memory_space<vmem>>, vector<16xi32>,
      %broadcast_in_dim3A_244 = arith.constant 0 : i32
      %broadcast_in_dim3A_245 = vector.broadcast %broadcast_in_dim3A_244 : i32 to vector<16xi32>
      %swap3A_246 = arith.constant 22 : i32
      %swap3A_247 = arith.index_cast %swap3A_246 : i32 to index
      %swap3A_248 = arith.constant 16 : index
      %swap3A_249 = tpu.vector_load %arg13[%swap3A_247, %swap3A_248] {strides = array<i32>} : memref<80x128xi32, #tpu.memory_space<vmem>>, vector<16xi32>,
      tpu.vector_store %arg13[%swap3A_247, %swap3A_248], %broadcast_in_dim3A_245 {strides = array<i32>} : memref<80x128xi32, #tpu.memory_space<vmem>>, vector<16xi32>,
      %broadcast_in_dim3A_250 = arith.constant 10129 : i32
      %broadcast_in_dim3A_251 = vector.broadcast %broadcast_in_dim3A_250 : i32 to vector<16xi32>
      %swap3A_252 = arith.constant 22 : i32
      %swap3A_253 = arith.index_cast %swap3A_252 : i32 to index
      %swap3A_254 = arith.constant 16 : index
      %swap3A_255 = tpu.vector_load %arg14[%swap3A_253, %swap3A_254] {strides = array<i32>} : memref<80x128xi32, #tpu.memory_space<vmem>>, vector<16xi32>,
      tpu.vector_store %arg14[%swap3A_253, %swap3A_254], %broadcast_in_dim3A_251 {strides = array<i32>} : memref<80x128xi32, #tpu.memory_space<vmem>>, vector<16xi32>,
      %broadcast_in_dim3A_256 = arith.constant 0 : i32
      %broadcast_in_dim3A_257 = vector.broadcast %broadcast_in_dim3A_256 : i32 to vector<16xi32>
      %swap3A_258 = arith.constant 22 : i32
      %swap3A_259 = arith.index_cast %swap3A_258 : i32 to index
      %swap3A_260 = arith.constant 32 : index
      %swap3A_261 = tpu.vector_load %arg13[%swap3A_259, %swap3A_260] {strides = array<i32>} : memref<80x128xi32, #tpu.memory_space<vmem>>, vector<16xi32>,
      tpu.vector_store %arg13[%swap3A_259, %swap3A_260], %broadcast_in_dim3A_257 {strides = array<i32>} : memref<80x128xi32, #tpu.memory_space<vmem>>, vector<16xi32>,
      %broadcast_in_dim3A_262 = arith.constant 10130 : i32
      %broadcast_in_dim3A_263 = vector.broadcast %broadcast_in_dim3A_262 : i32 to vector<16xi32>
      %swap3A_264 = arith.constant 22 : i32
      %swap3A_265 = arith.index_cast %swap3A_264 : i32 to index
      %swap3A_266 = arith.constant 32 : index
      %swap3A_267 = tpu.vector_load %arg14[%swap3A_265, %swap3A_266] {strides = array<i32>} : memref<80x128xi32, #tpu.memory_space<vmem>>, vector<16xi32>,
      tpu.vector_store %arg14[%swap3A_265, %swap3A_266], %broadcast_in_dim3A_263 {strides = array<i32>} : memref<80x128xi32, #tpu.memory_space<vmem>>, vector<16xi32>,
      %broadcast_in_dim3A_268 = arith.constant 0 : i32
      %broadcast_in_dim3A_269 = vector.broadcast %broadcast_in_dim3A_268 : i32 to vector<16xi32>
      %swap3A_270 = arith.constant 22 : i32
      %swap3A_271 = arith.index_cast %swap3A_270 : i32 to index
      %swap3A_272 = arith.constant 48 : index
      %swap3A_273 = tpu.vector_load %arg13[%swap3A_271, %swap3A_272] {strides = array<i32>} : memref<80x128xi32, #tpu.memory_space<vmem>>, vector<16xi32>,
      tpu.vector_store %arg13[%swap3A_271, %swap3A_272], %broadcast_in_dim3A_269 {strides = array<i32>} : memref<80x128xi32, #tpu.memory_space<vmem>>, vector<16xi32>,
      %broadcast_in_dim3A_274 = arith.constant 10131 : i32
      %broadcast_in_dim3A_275 = vector.broadcast %broadcast_in_dim3A_274 : i32 to vector<16xi32>
      %swap3A_276 = arith.constant 22 : i32
      %swap3A_277 = arith.index_cast %swap3A_276 : i32 to index
      %swap3A_278 = arith.constant 48 : index
      %swap3A_279 = tpu.vector_load %arg14[%swap3A_277, %swap3A_278] {strides = array<i32>} : memref<80x128xi32, #tpu.memory_space<vmem>>, vector<16xi32>,
      tpu.vector_store %arg14[%swap3A_277, %swap3A_278], %broadcast_in_dim3A_275 {strides = array<i32>} : memref<80x128xi32, #tpu.memory_space<vmem>>, vector<16xi32>,
      %broadcast_in_dim3A_280 = arith.constant 0 : i32
      %broadcast_in_dim3A_281 = vector.broadcast %broadcast_in_dim3A_280 : i32 to vector<16xi32>
      %swap3A_282 = arith.constant 22 : i32
      %swap3A_283 = arith.index_cast %swap3A_282 : i32 to index
      %swap3A_284 = arith.constant 64 : index
      %swap3A_285 = tpu.vector_load %arg13[%swap3A_283, %swap3A_284] {strides = array<i32>} : memref<80x128xi32, #tpu.memory_space<vmem>>, vector<16xi32>,
      tpu.vector_store %arg13[%swap3A_283, %swap3A_284], %broadcast_in_dim3A_281 {strides = array<i32>} : memref<80x128xi32, #tpu.memory_space<vmem>>, vector<16xi32>,
      %broadcast_in_dim3A_286 = arith.constant 10132 : i32
      %broadcast_in_dim3A_287 = vector.broadcast %broadcast_in_dim3A_286 : i32 to vector<16xi32>
      %swap3A_288 = arith.constant 22 : i32
      %swap3A_289 = arith.index_cast %swap3A_288 : i32 to index
      %swap3A_290 = arith.constant 64 : index
      %swap3A_291 = tpu.vector_load %arg14[%swap3A_289, %swap3A_290] {strides = array<i32>} : memref<80x128xi32, #tpu.memory_space<vmem>>, vector<16xi32>,
      tpu.vector_store %arg14[%swap3A_289, %swap3A_290], %broadcast_in_dim3A_287 {strides = array<i32>} : memref<80x128xi32, #tpu.memory_space<vmem>>, vector<16xi32>,
      %broadcast_in_dim3A_292 = arith.constant 0 : i32
      %broadcast_in_dim3A_293 = vector.broadcast %broadcast_in_dim3A_292 : i32 to vector<16xi32>
      %swap3A_294 = arith.constant 22 : i32
      %swap3A_295 = arith.index_cast %swap3A_294 : i32 to index
      %swap3A_296 = arith.constant 80 : index
      %swap3A_297 = tpu.vector_load %arg13[%swap3A_295, %swap3A_296] {strides = array<i32>} : memref<80x128xi32, #tpu.memory_space<vmem>>, vector<16xi32>,
      tpu.vector_store %arg13[%swap3A_295, %swap3A_296], %broadcast_in_dim3A_293 {strides = array<i32>} : memref<80x128xi32, #tpu.memory_space<vmem>>, vector<16xi32>,
      %broadcast_in_dim3A_298 = arith.constant 10133 : i32
      %broadcast_in_dim3A_299 = vector.broadcast %broadcast_in_dim3A_298 : i32 to vector<16xi32>
      %swap3A_300 = arith.constant 22 : i32
      %swap3A_301 = arith.index_cast %swap3A_300 : i32 to index
      %swap3A_302 = arith.constant 80 : index
      %swap3A_303 = tpu.vector_load %arg14[%swap3A_301, %swap3A_302] {strides = array<i32>} : memref<80x128xi32, #tpu.memory_space<vmem>>, vector<16xi32>,
      tpu.vector_store %arg14[%swap3A_301, %swap3A_302], %broadcast_in_dim3A_299 {strides = array<i32>} : memref<80x128xi32, #tpu.memory_space<vmem>>, vector<16xi32>,
      %broadcast_in_dim3A_304 = arith.constant 0 : i32
      %broadcast_in_dim3A_305 = vector.broadcast %broadcast_in_dim3A_304 : i32 to vector<16xi32>
      %swap3A_306 = arith.constant 22 : i32
      %swap3A_307 = arith.index_cast %swap3A_306 : i32 to index
      %swap3A_308 = arith.constant 96 : index
      %swap3A_309 = tpu.vector_load %arg13[%swap3A_307, %swap3A_308] {strides = array<i32>} : memref<80x128xi32, #tpu.memory_space<vmem>>, vector<16xi32>,
      tpu.vector_store %arg13[%swap3A_307, %swap3A_308], %broadcast_in_dim3A_305 {strides = array<i32>} : memref<80x128xi32, #tpu.memory_space<vmem>>, vector<16xi32>,
      %broadcast_in_dim3A_310 = arith.constant 10134 : i32
      %broadcast_in_dim3A_311 = vector.broadcast %broadcast_in_dim3A_310 : i32 to vector<16xi32>
      %swap3A_312 = arith.constant 22 : i32
      %swap3A_313 = arith.index_cast %swap3A_312 : i32 to index
      %swap3A_314 = arith.constant 96 : index
      %swap3A_315 = tpu.vector_load %arg14[%swap3A_313, %swap3A_314] {strides = array<i32>} : memref<80x128xi32, #tpu.memory_space<vmem>>, vector<16xi32>,
      tpu.vector_store %arg14[%swap3A_313, %swap3A_314], %broadcast_in_dim3A_311 {strides = array<i32>} : memref<80x128xi32, #tpu.memory_space<vmem>>, vector<16xi32>,
      %broadcast_in_dim3A_316 = arith.constant 0 : i32
      %broadcast_in_dim3A_317 = vector.broadcast %broadcast_in_dim3A_316 : i32 to vector<16xi32>
      %swap3A_318 = arith.constant 22 : i32
      %swap3A_319 = arith.index_cast %swap3A_318 : i32 to index
      %swap3A_320 = arith.constant 112 : index
      %swap3A_321 = tpu.vector_load %arg13[%swap3A_319, %swap3A_320] {strides = array<i32>} : memref<80x128xi32, #tpu.memory_space<vmem>>, vector<16xi32>,
      tpu.vector_store %arg13[%swap3A_319, %swap3A_320], %broadcast_in_dim3A_317 {strides = array<i32>} : memref<80x128xi32, #tpu.memory_space<vmem>>, vector<16xi32>,
      %broadcast_in_dim3A_322 = arith.constant 10135 : i32
      %broadcast_in_dim3A_323 = vector.broadcast %broadcast_in_dim3A_322 : i32 to vector<16xi32>
      %swap3A_324 = arith.constant 22 : i32
      %swap3A_325 = arith.index_cast %swap3A_324 : i32 to index
      %swap3A_326 = arith.constant 112 : index
      %swap3A_327 = tpu.vector_load %arg14[%swap3A_325, %swap3A_326] {strides = array<i32>} : memref<80x128xi32, #tpu.memory_space<vmem>>, vector<16xi32>,
      tpu.vector_store %arg14[%swap3A_325, %swap3A_326], %broadcast_in_dim3A_323 {strides = array<i32>} : memref<80x128xi32, #tpu.memory_space<vmem>>, vector<16xi32>,
      %broadcast_in_dim3A_328 = arith.constant 0 : i32
      %broadcast_in_dim3A_329 = vector.broadcast %broadcast_in_dim3A_328 : i32 to vector<16xi32>
      %swap3A_330 = arith.constant 23 : i32
      %swap3A_331 = arith.index_cast %swap3A_330 : i32 to index
      %swap3A_332 = arith.constant 0 : index
      %swap3A_333 = tpu.vector_load %arg13[%swap3A_331, %swap3A_332] {strides = array<i32>} : memref<80x128xi32, #tpu.memory_space<vmem>>, vector<16xi32>,
      tpu.vector_store %arg13[%swap3A_331, %swap3A_332], %broadcast_in_dim3A_329 {strides = array<i32>} : memref<80x128xi32, #tpu.memory_space<vmem>>, vector<16xi32>,
      %broadcast_in_dim3A_334 = arith.constant 10136 : i32
      %broadcast_in_dim3A_335 = vector.broadcast %broadcast_in_dim3A_334 : i32 to vector<16xi32>
      %swap3A_336 = arith.constant 23 : i32
      %swap3A_337 = arith.index_cast %swap3A_336 : i32 to index
      %swap3A_338 = arith.constant 0 : index
      %swap3A_339 = tpu.vector_load %arg14[%swap3A_337, %swap3A_338] {strides = array<i32>} : memref<80x128xi32, #tpu.memory_space<vmem>>, vector<16xi32>,
      tpu.vector_store %arg14[%swap3A_337, %swap3A_338], %broadcast_in_dim3A_335 {strides = array<i32>} : memref<80x128xi32, #tpu.memory_space<vmem>>, vector<16xi32>,
      %broadcast_in_dim3A_340 = arith.constant 0 : i32
      %broadcast_in_dim3A_341 = vector.broadcast %broadcast_in_dim3A_340 : i32 to vector<16xi32>
      %swap3A_342 = arith.constant 23 : i32
      %swap3A_343 = arith.index_cast %swap3A_342 : i32 to index
      %swap3A_344 = arith.constant 16 : index
      %swap3A_345 = tpu.vector_load %arg13[%swap3A_343, %swap3A_344] {strides = array<i32>} : memref<80x128xi32, #tpu.memory_space<vmem>>, vector<16xi32>,
      tpu.vector_store %arg13[%swap3A_343, %swap3A_344], %broadcast_in_dim3A_341 {strides = array<i32>} : memref<80x128xi32, #tpu.memory_space<vmem>>, vector<16xi32>,
      %broadcast_in_dim3A_346 = arith.constant 10137 : i32
      %broadcast_in_dim3A_347 = vector.broadcast %broadcast_in_dim3A_346 : i32 to vector<16xi32>
      %swap3A_348 = arith.constant 23 : i32
      %swap3A_349 = arith.index_cast %swap3A_348 : i32 to index
      %swap3A_350 = arith.constant 16 : index
      %swap3A_351 = tpu.vector_load %arg14[%swap3A_349, %swap3A_350] {strides = array<i32>} : memref<80x128xi32, #tpu.memory_space<vmem>>, vector<16xi32>,
      tpu.vector_store %arg14[%swap3A_349, %swap3A_350], %broadcast_in_dim3A_347 {strides = array<i32>} : memref<80x128xi32, #tpu.memory_space<vmem>>, vector<16xi32>,
      %broadcast_in_dim3A_352 = arith.constant 0 : i32
      %broadcast_in_dim3A_353 = vector.broadcast %broadcast_in_dim3A_352 : i32 to vector<16xi32>
      %swap3A_354 = arith.constant 23 : i32
      %swap3A_355 = arith.index_cast %swap3A_354 : i32 to index
      %swap3A_356 = arith.constant 32 : index
      %swap3A_357 = tpu.vector_load %arg13[%swap3A_355, %swap3A_356] {strides = array<i32>} : memref<80x128xi32, #tpu.memory_space<vmem>>, vector<16xi32>,
      tpu.vector_store %arg13[%swap3A_355, %swap3A_356], %broadcast_in_dim3A_353 {strides = array<i32>} : memref<80x128xi32, #tpu.memory_space<vmem>>, vector<16xi32>,
      %broadcast_in_dim3A_358 = arith.constant 10138 : i32
      %broadcast_in_dim3A_359 = vector.broadcast %broadcast_in_dim3A_358 : i32 to vector<16xi32>
      %swap3A_360 = arith.constant 23 : i32
      %swap3A_361 = arith.index_cast %swap3A_360 : i32 to index
      %swap3A_362 = arith.constant 32 : index
      %swap3A_363 = tpu.vector_load %arg14[%swap3A_361, %swap3A_362] {strides = array<i32>} : memref<80x128xi32, #tpu.memory_space<vmem>>, vector<16xi32>,
      tpu.vector_store %arg14[%swap3A_361, %swap3A_362], %broadcast_in_dim3A_359 {strides = array<i32>} : memref<80x128xi32, #tpu.memory_space<vmem>>, vector<16xi32>,
      %broadcast_in_dim3A_364 = arith.constant 0 : i32
      %broadcast_in_dim3A_365 = vector.broadcast %broadcast_in_dim3A_364 : i32 to vector<16xi32>
      %swap3A_366 = arith.constant 23 : i32
      %swap3A_367 = arith.index_cast %swap3A_366 : i32 to index
      %swap3A_368 = arith.constant 48 : index
      %swap3A_369 = tpu.vector_load %arg13[%swap3A_367, %swap3A_368] {strides = array<i32>} : memref<80x128xi32, #tpu.memory_space<vmem>>, vector<16xi32>,
      tpu.vector_store %arg13[%swap3A_367, %swap3A_368], %broadcast_in_dim3A_365 {strides = array<i32>} : memref<80x128xi32, #tpu.memory_space<vmem>>, vector<16xi32>,
      %broadcast_in_dim3A_370 = arith.constant 10139 : i32
      %broadcast_in_dim3A_371 = vector.broadcast %broadcast_in_dim3A_370 : i32 to vector<16xi32>
      %swap3A_372 = arith.constant 23 : i32
      %swap3A_373 = arith.index_cast %swap3A_372 : i32 to index
      %swap3A_374 = arith.constant 48 : index
      %swap3A_375 = tpu.vector_load %arg14[%swap3A_373, %swap3A_374] {strides = array<i32>} : memref<80x128xi32, #tpu.memory_space<vmem>>, vector<16xi32>,
      tpu.vector_store %arg14[%swap3A_373, %swap3A_374], %broadcast_in_dim3A_371 {strides = array<i32>} : memref<80x128xi32, #tpu.memory_space<vmem>>, vector<16xi32>,
      %broadcast_in_dim3A_376 = arith.constant 0 : i32
      %broadcast_in_dim3A_377 = vector.broadcast %broadcast_in_dim3A_376 : i32 to vector<16xi32>
      %swap3A_378 = arith.constant 23 : i32
      %swap3A_379 = arith.index_cast %swap3A_378 : i32 to index
      %swap3A_380 = arith.constant 64 : index
      %swap3A_381 = tpu.vector_load %arg13[%swap3A_379, %swap3A_380] {strides = array<i32>} : memref<80x128xi32, #tpu.memory_space<vmem>>, vector<16xi32>,
      tpu.vector_store %arg13[%swap3A_379, %swap3A_380], %broadcast_in_dim3A_377 {strides = array<i32>} : memref<80x128xi32, #tpu.memory_space<vmem>>, vector<16xi32>,
      %broadcast_in_dim3A_382 = arith.constant 10140 : i32
      %broadcast_in_dim3A_383 = vector.broadcast %broadcast_in_dim3A_382 : i32 to vector<16xi32>
      %swap3A_384 = arith.constant 23 : i32
      %swap3A_385 = arith.index_cast %swap3A_384 : i32 to index
      %swap3A_386 = arith.constant 64 : index
      %swap3A_387 = tpu.vector_load %arg14[%swap3A_385, %swap3A_386] {strides = array<i32>} : memref<80x128xi32, #tpu.memory_space<vmem>>, vector<16xi32>,
      tpu.vector_store %arg14[%swap3A_385, %swap3A_386], %broadcast_in_dim3A_383 {strides = array<i32>} : memref<80x128xi32, #tpu.memory_space<vmem>>, vector<16xi32>,
      %broadcast_in_dim3A_388 = arith.constant 0 : i32
      %broadcast_in_dim3A_389 = vector.broadcast %broadcast_in_dim3A_388 : i32 to vector<16xi32>
      %swap3A_390 = arith.constant 23 : i32
      %swap3A_391 = arith.index_cast %swap3A_390 : i32 to index
      %swap3A_392 = arith.constant 80 : index
      %swap3A_393 = tpu.vector_load %arg13[%swap3A_391, %swap3A_392] {strides = array<i32>} : memref<80x128xi32, #tpu.memory_space<vmem>>, vector<16xi32>,
      tpu.vector_store %arg13[%swap3A_391, %swap3A_392], %broadcast_in_dim3A_389 {strides = array<i32>} : memref<80x128xi32, #tpu.memory_space<vmem>>, vector<16xi32>,
      %broadcast_in_dim3A_394 = arith.constant 10141 : i32
      %broadcast_in_dim3A_395 = vector.broadcast %broadcast_in_dim3A_394 : i32 to vector<16xi32>
      %swap3A_396 = arith.constant 23 : i32
      %swap3A_397 = arith.index_cast %swap3A_396 : i32 to index
      %swap3A_398 = arith.constant 80 : index
      %swap3A_399 = tpu.vector_load %arg14[%swap3A_397, %swap3A_398] {strides = array<i32>} : memref<80x128xi32, #tpu.memory_space<vmem>>, vector<16xi32>,
      tpu.vector_store %arg14[%swap3A_397, %swap3A_398], %broadcast_in_dim3A_395 {strides = array<i32>} : memref<80x128xi32, #tpu.memory_space<vmem>>, vector<16xi32>,
      %broadcast_in_dim3A_400 = arith.constant 0 : i32
      %broadcast_in_dim3A_401 = vector.broadcast %broadcast_in_dim3A_400 : i32 to vector<16xi32>
      %swap3A_402 = arith.constant 23 : i32
      %swap3A_403 = arith.index_cast %swap3A_402 : i32 to index
      %swap3A_404 = arith.constant 96 : index
      %swap3A_405 = tpu.vector_load %arg13[%swap3A_403, %swap3A_404] {strides = array<i32>} : memref<80x128xi32, #tpu.memory_space<vmem>>, vector<16xi32>,
      tpu.vector_store %arg13[%swap3A_403, %swap3A_404], %broadcast_in_dim3A_401 {strides = array<i32>} : memref<80x128xi32, #tpu.memory_space<vmem>>, vector<16xi32>,
      %broadcast_in_dim3A_406 = arith.constant 10142 : i32
      %broadcast_in_dim3A_407 = vector.broadcast %broadcast_in_dim3A_406 : i32 to vector<16xi32>
      %swap3A_408 = arith.constant 23 : i32
      %swap3A_409 = arith.index_cast %swap3A_408 : i32 to index
      %swap3A_410 = arith.constant 96 : index
      %swap3A_411 = tpu.vector_load %arg14[%swap3A_409, %swap3A_410] {strides = array<i32>} : memref<80x128xi32, #tpu.memory_space<vmem>>, vector<16xi32>,
      tpu.vector_store %arg14[%swap3A_409, %swap3A_410], %broadcast_in_dim3A_407 {strides = array<i32>} : memref<80x128xi32, #tpu.memory_space<vmem>>, vector<16xi32>,
      %broadcast_in_dim3A_412 = arith.constant 0 : i32
      %broadcast_in_dim3A_413 = vector.broadcast %broadcast_in_dim3A_412 : i32 to vector<16xi32>
      %swap3A_414 = arith.constant 23 : i32
      %swap3A_415 = arith.index_cast %swap3A_414 : i32 to index
      %swap3A_416 = arith.constant 112 : index
      %swap3A_417 = tpu.vector_load %arg13[%swap3A_415, %swap3A_416] {strides = array<i32>} : memref<80x128xi32, #tpu.memory_space<vmem>>, vector<16xi32>,
      tpu.vector_store %arg13[%swap3A_415, %swap3A_416], %broadcast_in_dim3A_413 {strides = array<i32>} : memref<80x128xi32, #tpu.memory_space<vmem>>, vector<16xi32>,
      %broadcast_in_dim3A_418 = arith.constant 10143 : i32
      %broadcast_in_dim3A_419 = vector.broadcast %broadcast_in_dim3A_418 : i32 to vector<16xi32>
      %swap3A_420 = arith.constant 23 : i32
      %swap3A_421 = arith.index_cast %swap3A_420 : i32 to index
      %swap3A_422 = arith.constant 112 : index
      %swap3A_423 = tpu.vector_load %arg14[%swap3A_421, %swap3A_422] {strides = array<i32>} : memref<80x128xi32, #tpu.memory_space<vmem>>, vector<16xi32>,
      tpu.vector_store %arg14[%swap3A_421, %swap3A_422], %broadcast_in_dim3A_419 {strides = array<i32>} : memref<80x128xi32, #tpu.memory_space<vmem>>, vector<16xi32>,
    } else {
    }
    "tpu.region"() ({
      %run_scoped3A = tpu.sem_alloc : memref<!tpu.dma_semaphore, #tpu.memory_space<semaphore_mem>>
      tpu.enqueue_dma source(%arg5 : memref<10240xf32, #tpu.memory_space<hbm>>) target(%arg10 : memref<10240xf32, #tpu.memory_space<vmem>>) target_semaphore(%run_scoped3A : memref<!tpu.dma_semaphore, #tpu.memory_space<semaphore_mem>>)
      tpu.wait_dma2 semaphore(%run_scoped3A : memref<!tpu.dma_semaphore, #tpu.memory_space<semaphore_mem>>) src(%arg5 : memref<10240xf32, #tpu.memory_space<hbm>>) dst(%arg10 : memref<10240xf32, #tpu.memory_space<vmem>>)
      tpu.yield
    }) : () -> ()
    "tpu.region"() ({
      %run_scoped3A = tpu.sem_alloc : memref<!tpu.dma_semaphore, #tpu.memory_space<semaphore_mem>>
      tpu.enqueue_dma source(%arg6 : memref<10240xf32, #tpu.memory_space<hbm>>) target(%arg11 : memref<10240xf32, #tpu.memory_space<vmem>>) target_semaphore(%run_scoped3A : memref<!tpu.dma_semaphore, #tpu.memory_space<semaphore_mem>>)
      tpu.wait_dma2 semaphore(%run_scoped3A : memref<!tpu.dma_semaphore, #tpu.memory_space<semaphore_mem>>) src(%arg6 : memref<10240xf32, #tpu.memory_space<hbm>>) dst(%arg11 : memref<10240xf32, #tpu.memory_space<vmem>>)
      tpu.yield
    }) : () -> ()
    "tpu.region"() ({
      %run_scoped3A = tpu.sem_alloc : memref<!tpu.dma_semaphore, #tpu.memory_space<semaphore_mem>>
      tpu.enqueue_dma source(%arg7 : memref<10240xf32, #tpu.memory_space<hbm>>) target(%arg12 : memref<10240xf32, #tpu.memory_space<vmem>>) target_semaphore(%run_scoped3A : memref<!tpu.dma_semaphore, #tpu.memory_space<semaphore_mem>>)
      tpu.wait_dma2 semaphore(%run_scoped3A : memref<!tpu.dma_semaphore, #tpu.memory_space<semaphore_mem>>) src(%arg7 : memref<10240xf32, #tpu.memory_space<hbm>>) dst(%arg12 : memref<10240xf32, #tpu.memory_space<vmem>>)
      tpu.yield
    }) : () -> ()
    %broadcast_in_dim3A = arith.constant 0.000000e+00 : f32
    %broadcast_in_dim3A_9 = vector.broadcast %broadcast_in_dim3A : f32 to vector<16xf32>
    %scan3A = arith.constant 0 : i32
    %scan3A_10 = arith.constant 0 : i32
    %scan3A_11 = arith.constant 40 : i32
    %scan3A_12 = arith.addi %scan3A_10, %scan3A_11 : i32
    %scan3A_13 = arith.constant 1 : i32
    scf.for %scan3A_40 = %scan3A_10 to %scan3A_12 step %scan3A_13  : i32 {
      %mul3A_41 = arith.constant 16 : i32
      %mul3A_42 = arith.muli %scan3A_40, %mul3A_41 : i32
      %swap3A = arith.index_cast %mul3A_42 : i32 to index
      %swap3A_43 = tpu.vector_load %arg17[%swap3A] {strides = array<i32>} : memref<640xf32, #tpu.memory_space<vmem>>, vector<16xf32>,
      tpu.vector_store %arg17[%swap3A], %broadcast_in_dim3A_9 {strides = array<i32>} : memref<640xf32, #tpu.memory_space<vmem>>, vector<16xf32>,
    }
    %scan3A_14 = arith.constant 40 : i32
    %mul3A_15 = arith.constant 640 : i32
    %mul3A_16 = arith.muli %arg1, %mul3A_15 : i32
    "tpu.region"() ({
      %run_scoped3A = tpu.sem_alloc : memref<!tpu.dma_semaphore, #tpu.memory_space<semaphore_mem>>
      %dma_start3A = tpu.memref_slice %arg18[%mul3A_16] : memref<10240xf32, #tpu.memory_space<vmem_shared>> -> memref<640xf32, #tpu.memory_space<vmem_shared>>
      %dma_start3A_40 = tpu.memref_slice %arg18[%mul3A_16] : memref<10240xf32, #tpu.memory_space<vmem_shared>> -> memref<640xf32, #tpu.memory_space<vmem_shared>>
      tpu.enqueue_dma source(%arg17 : memref<640xf32, #tpu.memory_space<vmem>>) target(%dma_start3A_40 : memref<640xf32, #tpu.memory_space<vmem_shared>>) target_semaphore(%run_scoped3A : memref<!tpu.dma_semaphore, #tpu.memory_space<semaphore_mem>>)
      %dma_wait3A = tpu.memref_slice %arg18[%mul3A_16] : memref<10240xf32, #tpu.memory_space<vmem_shared>> -> memref<640xf32, #tpu.memory_space<vmem_shared>>
      %dma_wait3A_41 = tpu.memref_slice %arg18[%mul3A_16] : memref<10240xf32, #tpu.memory_space<vmem_shared>> -> memref<640xf32, #tpu.memory_space<vmem_shared>>
      tpu.wait_dma2 semaphore(%run_scoped3A : memref<!tpu.dma_semaphore, #tpu.memory_space<semaphore_mem>>) src(%arg17 : memref<640xf32, #tpu.memory_space<vmem>>) dst(%dma_wait3A_41 : memref<640xf32, #tpu.memory_space<vmem_shared>>)
      tpu.yield
    }) : () -> ()
    %mul3A_17 = arith.constant 640 : i32
    %mul3A_18 = arith.muli %arg1, %mul3A_17 : i32
    "tpu.region"() ({
      %run_scoped3A = tpu.sem_alloc : memref<!tpu.dma_semaphore, #tpu.memory_space<semaphore_mem>>
      %dma_start3A = tpu.memref_slice %arg19[%mul3A_18] : memref<10240xf32, #tpu.memory_space<vmem_shared>> -> memref<640xf32, #tpu.memory_space<vmem_shared>>
      %dma_start3A_40 = tpu.memref_slice %arg19[%mul3A_18] : memref<10240xf32, #tpu.memory_space<vmem_shared>> -> memref<640xf32, #tpu.memory_space<vmem_shared>>
      tpu.enqueue_dma source(%arg17 : memref<640xf32, #tpu.memory_space<vmem>>) target(%dma_start3A_40 : memref<640xf32, #tpu.memory_space<vmem_shared>>) target_semaphore(%run_scoped3A : memref<!tpu.dma_semaphore, #tpu.memory_space<semaphore_mem>>)
      %dma_wait3A = tpu.memref_slice %arg19[%mul3A_18] : memref<10240xf32, #tpu.memory_space<vmem_shared>> -> memref<640xf32, #tpu.memory_space<vmem_shared>>
      %dma_wait3A_41 = tpu.memref_slice %arg19[%mul3A_18] : memref<10240xf32, #tpu.memory_space<vmem_shared>> -> memref<640xf32, #tpu.memory_space<vmem_shared>>
      tpu.wait_dma2 semaphore(%run_scoped3A : memref<!tpu.dma_semaphore, #tpu.memory_space<semaphore_mem>>) src(%arg17 : memref<640xf32, #tpu.memory_space<vmem>>) dst(%dma_wait3A_41 : memref<640xf32, #tpu.memory_space<vmem_shared>>)
      tpu.yield
    }) : () -> ()
    %barrier3A = arith.constant 0 : index
    tpu.barrier barrier_id(%barrier3A)
    %scan3A_19 = arith.constant 0 : i32
    %scan3A_20 = arith.constant 0 : i32
    %scan3A_21 = arith.constant 80 : i32
    %scan3A_22 = arith.addi %scan3A_20, %scan3A_21 : i32
    %scan3A_23 = arith.constant 1 : i32
    scf.for %scan3A_40 = %scan3A_20 to %scan3A_22 step %scan3A_23  : i32 {
      %get3A = arith.index_cast %scan3A_40 : i32 to index
      %get3A_41 = arith.constant 0 : index
      %get3A_42 = tpu.vector_load %arg13[%get3A, %get3A_41] {strides = array<i32>} : memref<80x128xi32, #tpu.memory_space<vmem>>, vector<16xi32>,
      %get3A_43 = arith.index_cast %scan3A_40 : i32 to index
      %get3A_44 = arith.constant 0 : index
      %get3A_45 = tpu.vector_load %arg14[%get3A_43, %get3A_44] {strides = array<i32>} : memref<80x128xi32, #tpu.memory_space<vmem>>, vector<16xi32>,
      %gather3A = tpu.vector_load_idx %arg10[%get3A_42] : memref<10240xf32, #tpu.memory_space<vmem>>[vector<16xi32>], vector<16xf32>,
      %gather3A_46 = tpu.vector_load_idx %arg11[%get3A_45] : memref<10240xf32, #tpu.memory_space<vmem>>[vector<16xi32>], vector<16xf32>,
      %gather3A_47 = tpu.vector_load_idx %arg12[%get3A_42] : memref<10240xf32, #tpu.memory_space<vmem>>[vector<16xi32>], vector<16xf32>,
      %add3A_48 = arith.addf %gather3A, %gather3A_46 : vector<16xf32>
      %mul3A_49 = arith.constant 2.000000e-01 : f32
      %mul3A_50 = vector.broadcast %mul3A_49 : f32 to vector<16xf32>
      %mul3A_51 = arith.mulf %add3A_48, %mul3A_50 : vector<16xf32>
      %max3A = arith.maximumf %add3A_48, %mul3A_51 : vector<16xf32>
      %exp3A = math.exp %max3A : vector<16xf32>
      %swap3A = arith.index_cast %scan3A_40 : i32 to index
      %swap3A_52 = arith.constant 0 : index
      %swap3A_53 = tpu.vector_load %arg15[%swap3A, %swap3A_52] {strides = array<i32>} : memref<80x128xf32, #tpu.memory_space<vmem>>, vector<16xf32>,
      tpu.vector_store %arg15[%swap3A, %swap3A_52], %exp3A {strides = array<i32>} : memref<80x128xf32, #tpu.memory_space<vmem>>, vector<16xf32>,
      %mul3A_54 = arith.mulf %exp3A, %gather3A_47 : vector<16xf32>
      %swap3A_55 = arith.index_cast %scan3A_40 : i32 to index
      %swap3A_56 = arith.constant 0 : index
      %swap3A_57 = tpu.vector_load %arg16[%swap3A_55, %swap3A_56] {strides = array<i32>} : memref<80x128xf32, #tpu.memory_space<vmem>>, vector<16xf32>,
      tpu.vector_store %arg16[%swap3A_55, %swap3A_56], %mul3A_54 {strides = array<i32>} : memref<80x128xf32, #tpu.memory_space<vmem>>, vector<16xf32>,
      %get3A_58 = arith.index_cast %scan3A_40 : i32 to index
      %get3A_59 = arith.constant 16 : index
      %get3A_60 = tpu.vector_load %arg13[%get3A_58, %get3A_59] {strides = array<i32>} : memref<80x128xi32, #tpu.memory_space<vmem>>, vector<16xi32>,
      %get3A_61 = arith.index_cast %scan3A_40 : i32 to index
      %get3A_62 = arith.constant 16 : index
      %get3A_63 = tpu.vector_load %arg14[%get3A_61, %get3A_62] {strides = array<i32>} : memref<80x128xi32, #tpu.memory_space<vmem>>, vector<16xi32>,
      %gather3A_64 = tpu.vector_load_idx %arg10[%get3A_60] : memref<10240xf32, #tpu.memory_space<vmem>>[vector<16xi32>], vector<16xf32>,
      %gather3A_65 = tpu.vector_load_idx %arg11[%get3A_63] : memref<10240xf32, #tpu.memory_space<vmem>>[vector<16xi32>], vector<16xf32>,
      %gather3A_66 = tpu.vector_load_idx %arg12[%get3A_60] : memref<10240xf32, #tpu.memory_space<vmem>>[vector<16xi32>], vector<16xf32>,
      %add3A_67 = arith.addf %gather3A_64, %gather3A_65 : vector<16xf32>
      %mul3A_68 = arith.constant 2.000000e-01 : f32
      %mul3A_69 = vector.broadcast %mul3A_68 : f32 to vector<16xf32>
      %mul3A_70 = arith.mulf %add3A_67, %mul3A_69 : vector<16xf32>
      %max3A_71 = arith.maximumf %add3A_67, %mul3A_70 : vector<16xf32>
      %exp3A_72 = math.exp %max3A_71 : vector<16xf32>
      %swap3A_73 = arith.index_cast %scan3A_40 : i32 to index
      %swap3A_74 = arith.constant 16 : index
      %swap3A_75 = tpu.vector_load %arg15[%swap3A_73, %swap3A_74] {strides = array<i32>} : memref<80x128xf32, #tpu.memory_space<vmem>>, vector<16xf32>,
      tpu.vector_store %arg15[%swap3A_73, %swap3A_74], %exp3A_72 {strides = array<i32>} : memref<80x128xf32, #tpu.memory_space<vmem>>, vector<16xf32>,
      %mul3A_76 = arith.mulf %exp3A_72, %gather3A_66 : vector<16xf32>
      %swap3A_77 = arith.index_cast %scan3A_40 : i32 to index
      %swap3A_78 = arith.constant 16 : index
      %swap3A_79 = tpu.vector_load %arg16[%swap3A_77, %swap3A_78] {strides = array<i32>} : memref<80x128xf32, #tpu.memory_space<vmem>>, vector<16xf32>,
      tpu.vector_store %arg16[%swap3A_77, %swap3A_78], %mul3A_76 {strides = array<i32>} : memref<80x128xf32, #tpu.memory_space<vmem>>, vector<16xf32>,
      %get3A_80 = arith.index_cast %scan3A_40 : i32 to index
      %get3A_81 = arith.constant 32 : index
      %get3A_82 = tpu.vector_load %arg13[%get3A_80, %get3A_81] {strides = array<i32>} : memref<80x128xi32, #tpu.memory_space<vmem>>, vector<16xi32>,
      %get3A_83 = arith.index_cast %scan3A_40 : i32 to index
      %get3A_84 = arith.constant 32 : index
      %get3A_85 = tpu.vector_load %arg14[%get3A_83, %get3A_84] {strides = array<i32>} : memref<80x128xi32, #tpu.memory_space<vmem>>, vector<16xi32>,
      %gather3A_86 = tpu.vector_load_idx %arg10[%get3A_82] : memref<10240xf32, #tpu.memory_space<vmem>>[vector<16xi32>], vector<16xf32>,
      %gather3A_87 = tpu.vector_load_idx %arg11[%get3A_85] : memref<10240xf32, #tpu.memory_space<vmem>>[vector<16xi32>], vector<16xf32>,
      %gather3A_88 = tpu.vector_load_idx %arg12[%get3A_82] : memref<10240xf32, #tpu.memory_space<vmem>>[vector<16xi32>], vector<16xf32>,
      %add3A_89 = arith.addf %gather3A_86, %gather3A_87 : vector<16xf32>
      %mul3A_90 = arith.constant 2.000000e-01 : f32
      %mul3A_91 = vector.broadcast %mul3A_90 : f32 to vector<16xf32>
      %mul3A_92 = arith.mulf %add3A_89, %mul3A_91 : vector<16xf32>
      %max3A_93 = arith.maximumf %add3A_89, %mul3A_92 : vector<16xf32>
      %exp3A_94 = math.exp %max3A_93 : vector<16xf32>
      %swap3A_95 = arith.index_cast %scan3A_40 : i32 to index
      %swap3A_96 = arith.constant 32 : index
      %swap3A_97 = tpu.vector_load %arg15[%swap3A_95, %swap3A_96] {strides = array<i32>} : memref<80x128xf32, #tpu.memory_space<vmem>>, vector<16xf32>,
      tpu.vector_store %arg15[%swap3A_95, %swap3A_96], %exp3A_94 {strides = array<i32>} : memref<80x128xf32, #tpu.memory_space<vmem>>, vector<16xf32>,
      %mul3A_98 = arith.mulf %exp3A_94, %gather3A_88 : vector<16xf32>
      %swap3A_99 = arith.index_cast %scan3A_40 : i32 to index
      %swap3A_100 = arith.constant 32 : index
      %swap3A_101 = tpu.vector_load %arg16[%swap3A_99, %swap3A_100] {strides = array<i32>} : memref<80x128xf32, #tpu.memory_space<vmem>>, vector<16xf32>,
      tpu.vector_store %arg16[%swap3A_99, %swap3A_100], %mul3A_98 {strides = array<i32>} : memref<80x128xf32, #tpu.memory_space<vmem>>, vector<16xf32>,
      %get3A_102 = arith.index_cast %scan3A_40 : i32 to index
      %get3A_103 = arith.constant 48 : index
      %get3A_104 = tpu.vector_load %arg13[%get3A_102, %get3A_103] {strides = array<i32>} : memref<80x128xi32, #tpu.memory_space<vmem>>, vector<16xi32>,
      %get3A_105 = arith.index_cast %scan3A_40 : i32 to index
      %get3A_106 = arith.constant 48 : index
      %get3A_107 = tpu.vector_load %arg14[%get3A_105, %get3A_106] {strides = array<i32>} : memref<80x128xi32, #tpu.memory_space<vmem>>, vector<16xi32>,
      %gather3A_108 = tpu.vector_load_idx %arg10[%get3A_104] : memref<10240xf32, #tpu.memory_space<vmem>>[vector<16xi32>], vector<16xf32>,
      %gather3A_109 = tpu.vector_load_idx %arg11[%get3A_107] : memref<10240xf32, #tpu.memory_space<vmem>>[vector<16xi32>], vector<16xf32>,
      %gather3A_110 = tpu.vector_load_idx %arg12[%get3A_104] : memref<10240xf32, #tpu.memory_space<vmem>>[vector<16xi32>], vector<16xf32>,
      %add3A_111 = arith.addf %gather3A_108, %gather3A_109 : vector<16xf32>
      %mul3A_112 = arith.constant 2.000000e-01 : f32
      %mul3A_113 = vector.broadcast %mul3A_112 : f32 to vector<16xf32>
      %mul3A_114 = arith.mulf %add3A_111, %mul3A_113 : vector<16xf32>
      %max3A_115 = arith.maximumf %add3A_111, %mul3A_114 : vector<16xf32>
      %exp3A_116 = math.exp %max3A_115 : vector<16xf32>
      %swap3A_117 = arith.index_cast %scan3A_40 : i32 to index
      %swap3A_118 = arith.constant 48 : index
      %swap3A_119 = tpu.vector_load %arg15[%swap3A_117, %swap3A_118] {strides = array<i32>} : memref<80x128xf32, #tpu.memory_space<vmem>>, vector<16xf32>,
      tpu.vector_store %arg15[%swap3A_117, %swap3A_118], %exp3A_116 {strides = array<i32>} : memref<80x128xf32, #tpu.memory_space<vmem>>, vector<16xf32>,
      %mul3A_120 = arith.mulf %exp3A_116, %gather3A_110 : vector<16xf32>
      %swap3A_121 = arith.index_cast %scan3A_40 : i32 to index
      %swap3A_122 = arith.constant 48 : index
      %swap3A_123 = tpu.vector_load %arg16[%swap3A_121, %swap3A_122] {strides = array<i32>} : memref<80x128xf32, #tpu.memory_space<vmem>>, vector<16xf32>,
      tpu.vector_store %arg16[%swap3A_121, %swap3A_122], %mul3A_120 {strides = array<i32>} : memref<80x128xf32, #tpu.memory_space<vmem>>, vector<16xf32>,
      %get3A_124 = arith.index_cast %scan3A_40 : i32 to index
      %get3A_125 = arith.constant 64 : index
      %get3A_126 = tpu.vector_load %arg13[%get3A_124, %get3A_125] {strides = array<i32>} : memref<80x128xi32, #tpu.memory_space<vmem>>, vector<16xi32>,
      %get3A_127 = arith.index_cast %scan3A_40 : i32 to index
      %get3A_128 = arith.constant 64 : index
      %get3A_129 = tpu.vector_load %arg14[%get3A_127, %get3A_128] {strides = array<i32>} : memref<80x128xi32, #tpu.memory_space<vmem>>, vector<16xi32>,
      %gather3A_130 = tpu.vector_load_idx %arg10[%get3A_126] : memref<10240xf32, #tpu.memory_space<vmem>>[vector<16xi32>], vector<16xf32>,
      %gather3A_131 = tpu.vector_load_idx %arg11[%get3A_129] : memref<10240xf32, #tpu.memory_space<vmem>>[vector<16xi32>], vector<16xf32>,
      %gather3A_132 = tpu.vector_load_idx %arg12[%get3A_126] : memref<10240xf32, #tpu.memory_space<vmem>>[vector<16xi32>], vector<16xf32>,
      %add3A_133 = arith.addf %gather3A_130, %gather3A_131 : vector<16xf32>
      %mul3A_134 = arith.constant 2.000000e-01 : f32
      %mul3A_135 = vector.broadcast %mul3A_134 : f32 to vector<16xf32>
      %mul3A_136 = arith.mulf %add3A_133, %mul3A_135 : vector<16xf32>
      %max3A_137 = arith.maximumf %add3A_133, %mul3A_136 : vector<16xf32>
      %exp3A_138 = math.exp %max3A_137 : vector<16xf32>
      %swap3A_139 = arith.index_cast %scan3A_40 : i32 to index
      %swap3A_140 = arith.constant 64 : index
      %swap3A_141 = tpu.vector_load %arg15[%swap3A_139, %swap3A_140] {strides = array<i32>} : memref<80x128xf32, #tpu.memory_space<vmem>>, vector<16xf32>,
      tpu.vector_store %arg15[%swap3A_139, %swap3A_140], %exp3A_138 {strides = array<i32>} : memref<80x128xf32, #tpu.memory_space<vmem>>, vector<16xf32>,
      %mul3A_142 = arith.mulf %exp3A_138, %gather3A_132 : vector<16xf32>
      %swap3A_143 = arith.index_cast %scan3A_40 : i32 to index
      %swap3A_144 = arith.constant 64 : index
      %swap3A_145 = tpu.vector_load %arg16[%swap3A_143, %swap3A_144] {strides = array<i32>} : memref<80x128xf32, #tpu.memory_space<vmem>>, vector<16xf32>,
      tpu.vector_store %arg16[%swap3A_143, %swap3A_144], %mul3A_142 {strides = array<i32>} : memref<80x128xf32, #tpu.memory_space<vmem>>, vector<16xf32>,
      %get3A_146 = arith.index_cast %scan3A_40 : i32 to index
      %get3A_147 = arith.constant 80 : index
      %get3A_148 = tpu.vector_load %arg13[%get3A_146, %get3A_147] {strides = array<i32>} : memref<80x128xi32, #tpu.memory_space<vmem>>, vector<16xi32>,
      %get3A_149 = arith.index_cast %scan3A_40 : i32 to index
      %get3A_150 = arith.constant 80 : index
      %get3A_151 = tpu.vector_load %arg14[%get3A_149, %get3A_150] {strides = array<i32>} : memref<80x128xi32, #tpu.memory_space<vmem>>, vector<16xi32>,
      %gather3A_152 = tpu.vector_load_idx %arg10[%get3A_148] : memref<10240xf32, #tpu.memory_space<vmem>>[vector<16xi32>], vector<16xf32>,
      %gather3A_153 = tpu.vector_load_idx %arg11[%get3A_151] : memref<10240xf32, #tpu.memory_space<vmem>>[vector<16xi32>], vector<16xf32>,
      %gather3A_154 = tpu.vector_load_idx %arg12[%get3A_148] : memref<10240xf32, #tpu.memory_space<vmem>>[vector<16xi32>], vector<16xf32>,
      %add3A_155 = arith.addf %gather3A_152, %gather3A_153 : vector<16xf32>
      %mul3A_156 = arith.constant 2.000000e-01 : f32
      %mul3A_157 = vector.broadcast %mul3A_156 : f32 to vector<16xf32>
      %mul3A_158 = arith.mulf %add3A_155, %mul3A_157 : vector<16xf32>
      %max3A_159 = arith.maximumf %add3A_155, %mul3A_158 : vector<16xf32>
      %exp3A_160 = math.exp %max3A_159 : vector<16xf32>
      %swap3A_161 = arith.index_cast %scan3A_40 : i32 to index
      %swap3A_162 = arith.constant 80 : index
      %swap3A_163 = tpu.vector_load %arg15[%swap3A_161, %swap3A_162] {strides = array<i32>} : memref<80x128xf32, #tpu.memory_space<vmem>>, vector<16xf32>,
      tpu.vector_store %arg15[%swap3A_161, %swap3A_162], %exp3A_160 {strides = array<i32>} : memref<80x128xf32, #tpu.memory_space<vmem>>, vector<16xf32>,
      %mul3A_164 = arith.mulf %exp3A_160, %gather3A_154 : vector<16xf32>
      %swap3A_165 = arith.index_cast %scan3A_40 : i32 to index
      %swap3A_166 = arith.constant 80 : index
      %swap3A_167 = tpu.vector_load %arg16[%swap3A_165, %swap3A_166] {strides = array<i32>} : memref<80x128xf32, #tpu.memory_space<vmem>>, vector<16xf32>,
      tpu.vector_store %arg16[%swap3A_165, %swap3A_166], %mul3A_164 {strides = array<i32>} : memref<80x128xf32, #tpu.memory_space<vmem>>, vector<16xf32>,
      %get3A_168 = arith.index_cast %scan3A_40 : i32 to index
      %get3A_169 = arith.constant 96 : index
      %get3A_170 = tpu.vector_load %arg13[%get3A_168, %get3A_169] {strides = array<i32>} : memref<80x128xi32, #tpu.memory_space<vmem>>, vector<16xi32>,
      %get3A_171 = arith.index_cast %scan3A_40 : i32 to index
      %get3A_172 = arith.constant 96 : index
      %get3A_173 = tpu.vector_load %arg14[%get3A_171, %get3A_172] {strides = array<i32>} : memref<80x128xi32, #tpu.memory_space<vmem>>, vector<16xi32>,
      %gather3A_174 = tpu.vector_load_idx %arg10[%get3A_170] : memref<10240xf32, #tpu.memory_space<vmem>>[vector<16xi32>], vector<16xf32>,
      %gather3A_175 = tpu.vector_load_idx %arg11[%get3A_173] : memref<10240xf32, #tpu.memory_space<vmem>>[vector<16xi32>], vector<16xf32>,
      %gather3A_176 = tpu.vector_load_idx %arg12[%get3A_170] : memref<10240xf32, #tpu.memory_space<vmem>>[vector<16xi32>], vector<16xf32>,
      %add3A_177 = arith.addf %gather3A_174, %gather3A_175 : vector<16xf32>
      %mul3A_178 = arith.constant 2.000000e-01 : f32
      %mul3A_179 = vector.broadcast %mul3A_178 : f32 to vector<16xf32>
      %mul3A_180 = arith.mulf %add3A_177, %mul3A_179 : vector<16xf32>
      %max3A_181 = arith.maximumf %add3A_177, %mul3A_180 : vector<16xf32>
      %exp3A_182 = math.exp %max3A_181 : vector<16xf32>
      %swap3A_183 = arith.index_cast %scan3A_40 : i32 to index
      %swap3A_184 = arith.constant 96 : index
      %swap3A_185 = tpu.vector_load %arg15[%swap3A_183, %swap3A_184] {strides = array<i32>} : memref<80x128xf32, #tpu.memory_space<vmem>>, vector<16xf32>,
      tpu.vector_store %arg15[%swap3A_183, %swap3A_184], %exp3A_182 {strides = array<i32>} : memref<80x128xf32, #tpu.memory_space<vmem>>, vector<16xf32>,
      %mul3A_186 = arith.mulf %exp3A_182, %gather3A_176 : vector<16xf32>
      %swap3A_187 = arith.index_cast %scan3A_40 : i32 to index
      %swap3A_188 = arith.constant 96 : index
      %swap3A_189 = tpu.vector_load %arg16[%swap3A_187, %swap3A_188] {strides = array<i32>} : memref<80x128xf32, #tpu.memory_space<vmem>>, vector<16xf32>,
      tpu.vector_store %arg16[%swap3A_187, %swap3A_188], %mul3A_186 {strides = array<i32>} : memref<80x128xf32, #tpu.memory_space<vmem>>, vector<16xf32>,
      %get3A_190 = arith.index_cast %scan3A_40 : i32 to index
      %get3A_191 = arith.constant 112 : index
      %get3A_192 = tpu.vector_load %arg13[%get3A_190, %get3A_191] {strides = array<i32>} : memref<80x128xi32, #tpu.memory_space<vmem>>, vector<16xi32>,
      %get3A_193 = arith.index_cast %scan3A_40 : i32 to index
      %get3A_194 = arith.constant 112 : index
      %get3A_195 = tpu.vector_load %arg14[%get3A_193, %get3A_194] {strides = array<i32>} : memref<80x128xi32, #tpu.memory_space<vmem>>, vector<16xi32>,
      %gather3A_196 = tpu.vector_load_idx %arg10[%get3A_192] : memref<10240xf32, #tpu.memory_space<vmem>>[vector<16xi32>], vector<16xf32>,
      %gather3A_197 = tpu.vector_load_idx %arg11[%get3A_195] : memref<10240xf32, #tpu.memory_space<vmem>>[vector<16xi32>], vector<16xf32>,
      %gather3A_198 = tpu.vector_load_idx %arg12[%get3A_192] : memref<10240xf32, #tpu.memory_space<vmem>>[vector<16xi32>], vector<16xf32>,
      %add3A_199 = arith.addf %gather3A_196, %gather3A_197 : vector<16xf32>
      %mul3A_200 = arith.constant 2.000000e-01 : f32
      %mul3A_201 = vector.broadcast %mul3A_200 : f32 to vector<16xf32>
      %mul3A_202 = arith.mulf %add3A_199, %mul3A_201 : vector<16xf32>
      %max3A_203 = arith.maximumf %add3A_199, %mul3A_202 : vector<16xf32>
      %exp3A_204 = math.exp %max3A_203 : vector<16xf32>
      %swap3A_205 = arith.index_cast %scan3A_40 : i32 to index
      %swap3A_206 = arith.constant 112 : index
      %swap3A_207 = tpu.vector_load %arg15[%swap3A_205, %swap3A_206] {strides = array<i32>} : memref<80x128xf32, #tpu.memory_space<vmem>>, vector<16xf32>,
      tpu.vector_store %arg15[%swap3A_205, %swap3A_206], %exp3A_204 {strides = array<i32>} : memref<80x128xf32, #tpu.memory_space<vmem>>, vector<16xf32>,
      %mul3A_208 = arith.mulf %exp3A_204, %gather3A_198 : vector<16xf32>
      %swap3A_209 = arith.index_cast %scan3A_40 : i32 to index
      %swap3A_210 = arith.constant 112 : index
      %swap3A_211 = tpu.vector_load %arg16[%swap3A_209, %swap3A_210] {strides = array<i32>} : memref<80x128xf32, #tpu.memory_space<vmem>>, vector<16xf32>,
      tpu.vector_store %arg16[%swap3A_209, %swap3A_210], %mul3A_208 {strides = array<i32>} : memref<80x128xf32, #tpu.memory_space<vmem>>, vector<16xf32>,
    }
    %scan3A_24 = arith.constant 80 : i32
    %scan3A_25 = arith.constant 0 : i32
    %scan3A_26 = arith.constant 0 : i32
    %scan3A_27 = arith.constant 80 : i32
    %scan3A_28 = arith.addi %scan3A_26, %scan3A_27 : i32
    %scan3A_29 = arith.constant 1 : i32
    scf.for %scan3A_40 = %scan3A_26 to %scan3A_28 step %scan3A_29  : i32 {
      "tpu.region"() ({
        %run_scoped3A = tpu.sem_alloc : memref<!tpu.dma_semaphore, #tpu.memory_space<semaphore_mem>>
        %dma_start3A = arith.constant 0 : i32
        %dma_start3A_41 = tpu.memref_slice %arg15[%scan3A_40, %dma_start3A] : memref<80x128xf32, #tpu.memory_space<vmem>> -> memref<1x128xf32, #tpu.memory_space<vmem>>
        %dma_start3A_42 = tpu.memref_squeeze %dma_start3A_41 : memref<1x128xf32, #tpu.memory_space<vmem>> -> memref<128xf32, #tpu.memory_space<vmem>>
        %dma_start3A_43 = arith.constant 0 : i32
        %dma_start3A_44 = tpu.memref_slice %arg14[%scan3A_40, %dma_start3A_43] : memref<80x128xi32, #tpu.memory_space<vmem>> -> memref<1x128xi32, #tpu.memory_space<vmem>>
        %dma_start3A_45 = tpu.memref_squeeze %dma_start3A_44 : memref<1x128xi32, #tpu.memory_space<vmem>> -> memref<128xi32, #tpu.memory_space<vmem>>
        %dma_start3A_46 = arith.constant 0 : i32
        %dma_start3A_47 = tpu.memref_slice %arg18[%dma_start3A_46] : memref<10240xf32, #tpu.memory_space<vmem_shared>> -> memref<10240xf32, #tpu.memory_space<vmem_shared>>
        tpu.enqueue_indirect_dma source(%dma_start3A_42 : memref<128xf32, #tpu.memory_space<vmem>>) target(%dma_start3A_47 : memref<10240xf32, #tpu.memory_space<vmem_shared>>) offsets(%dma_start3A_45 : memref<128xi32, #tpu.memory_space<vmem>>) semaphore(%run_scoped3A : memref<!tpu.dma_semaphore, #tpu.memory_space<semaphore_mem>>) {add = true}
        %dma_wait3A = arith.constant 0 : i32
        %dma_wait3A_48 = tpu.memref_slice %arg15[%scan3A_40, %dma_wait3A] : memref<80x128xf32, #tpu.memory_space<vmem>> -> memref<1x128xf32, #tpu.memory_space<vmem>>
        %dma_wait3A_49 = tpu.memref_squeeze %dma_wait3A_48 : memref<1x128xf32, #tpu.memory_space<vmem>> -> memref<128xf32, #tpu.memory_space<vmem>>
        %dma_wait3A_50 = arith.constant 0 : i32
        %dma_wait3A_51 = tpu.memref_slice %arg14[%scan3A_40, %dma_wait3A_50] : memref<80x128xi32, #tpu.memory_space<vmem>> -> memref<1x128xi32, #tpu.memory_space<vmem>>
        %dma_wait3A_52 = tpu.memref_squeeze %dma_wait3A_51 : memref<1x128xi32, #tpu.memory_space<vmem>> -> memref<128xi32, #tpu.memory_space<vmem>>
        %dma_wait3A_53 = arith.constant 0 : i32
        %dma_wait3A_54 = tpu.memref_slice %arg18[%dma_wait3A_53] : memref<10240xf32, #tpu.memory_space<vmem_shared>> -> memref<10240xf32, #tpu.memory_space<vmem_shared>>
        tpu.wait_indirect_dma semaphore(%run_scoped3A : memref<!tpu.dma_semaphore, #tpu.memory_space<semaphore_mem>>) src(%dma_wait3A_49 : memref<128xf32, #tpu.memory_space<vmem>>) dst(%dma_wait3A_54 : memref<10240xf32, #tpu.memory_space<vmem_shared>>)
        tpu.yield
      }) : () -> ()
      "tpu.region"() ({
        %run_scoped3A = tpu.sem_alloc : memref<!tpu.dma_semaphore, #tpu.memory_space<semaphore_mem>>
        %dma_start3A = arith.constant 0 : i32
        %dma_start3A_41 = tpu.memref_slice %arg16[%scan3A_40, %dma_start3A] : memref<80x128xf32, #tpu.memory_space<vmem>> -> memref<1x128xf32, #tpu.memory_space<vmem>>
        %dma_start3A_42 = tpu.memref_squeeze %dma_start3A_41 : memref<1x128xf32, #tpu.memory_space<vmem>> -> memref<128xf32, #tpu.memory_space<vmem>>
        %dma_start3A_43 = arith.constant 0 : i32
        %dma_start3A_44 = tpu.memref_slice %arg14[%scan3A_40, %dma_start3A_43] : memref<80x128xi32, #tpu.memory_space<vmem>> -> memref<1x128xi32, #tpu.memory_space<vmem>>
        %dma_start3A_45 = tpu.memref_squeeze %dma_start3A_44 : memref<1x128xi32, #tpu.memory_space<vmem>> -> memref<128xi32, #tpu.memory_space<vmem>>
        %dma_start3A_46 = arith.constant 0 : i32
        %dma_start3A_47 = tpu.memref_slice %arg19[%dma_start3A_46] : memref<10240xf32, #tpu.memory_space<vmem_shared>> -> memref<10240xf32, #tpu.memory_space<vmem_shared>>
        tpu.enqueue_indirect_dma source(%dma_start3A_42 : memref<128xf32, #tpu.memory_space<vmem>>) target(%dma_start3A_47 : memref<10240xf32, #tpu.memory_space<vmem_shared>>) offsets(%dma_start3A_45 : memref<128xi32, #tpu.memory_space<vmem>>) semaphore(%run_scoped3A : memref<!tpu.dma_semaphore, #tpu.memory_space<semaphore_mem>>) {add = true}
        %dma_wait3A = arith.constant 0 : i32
        %dma_wait3A_48 = tpu.memref_slice %arg16[%scan3A_40, %dma_wait3A] : memref<80x128xf32, #tpu.memory_space<vmem>> -> memref<1x128xf32, #tpu.memory_space<vmem>>
        %dma_wait3A_49 = tpu.memref_squeeze %dma_wait3A_48 : memref<1x128xf32, #tpu.memory_space<vmem>> -> memref<128xf32, #tpu.memory_space<vmem>>
        %dma_wait3A_50 = arith.constant 0 : i32
        %dma_wait3A_51 = tpu.memref_slice %arg14[%scan3A_40, %dma_wait3A_50] : memref<80x128xi32, #tpu.memory_space<vmem>> -> memref<1x128xi32, #tpu.memory_space<vmem>>
        %dma_wait3A_52 = tpu.memref_squeeze %dma_wait3A_51 : memref<1x128xi32, #tpu.memory_space<vmem>> -> memref<128xi32, #tpu.memory_space<vmem>>
        %dma_wait3A_53 = arith.constant 0 : i32
        %dma_wait3A_54 = tpu.memref_slice %arg19[%dma_wait3A_53] : memref<10240xf32, #tpu.memory_space<vmem_shared>> -> memref<10240xf32, #tpu.memory_space<vmem_shared>>
        tpu.wait_indirect_dma semaphore(%run_scoped3A : memref<!tpu.dma_semaphore, #tpu.memory_space<semaphore_mem>>) src(%dma_wait3A_49 : memref<128xf32, #tpu.memory_space<vmem>>) dst(%dma_wait3A_54 : memref<10240xf32, #tpu.memory_space<vmem_shared>>)
        tpu.yield
      }) : () -> ()
    }
    %scan3A_30 = arith.constant 80 : i32
    %barrier3A_31 = arith.constant 0 : index
    tpu.barrier barrier_id(%barrier3A_31)
    %mul3A_32 = arith.constant 640 : i32
    %mul3A_33 = arith.muli %arg1, %mul3A_32 : i32
    %mul3A_34 = arith.constant 640 : i32
    %mul3A_35 = arith.muli %arg1, %mul3A_34 : i32
    "tpu.region"() ({
      %run_scoped3A = tpu.sem_alloc : memref<!tpu.dma_semaphore, #tpu.memory_space<semaphore_mem>>
      %dma_start3A = tpu.memref_slice %arg8[%arg0, %mul3A_35] : memref<2x10240xf32, #tpu.memory_space<hbm>> -> memref<1x640xf32, #tpu.memory_space<hbm>>
      %dma_start3A_40 = tpu.memref_squeeze %dma_start3A : memref<1x640xf32, #tpu.memory_space<hbm>> -> memref<640xf32, #tpu.memory_space<hbm>>
      %dma_start3A_41 = tpu.memref_slice %arg18[%mul3A_33] : memref<10240xf32, #tpu.memory_space<vmem_shared>> -> memref<640xf32, #tpu.memory_space<vmem_shared>>
      tpu.enqueue_dma source(%dma_start3A_41 : memref<640xf32, #tpu.memory_space<vmem_shared>>) target(%dma_start3A_40 : memref<640xf32, #tpu.memory_space<hbm>>) target_semaphore(%run_scoped3A : memref<!tpu.dma_semaphore, #tpu.memory_space<semaphore_mem>>)
      %dma_wait3A = tpu.memref_slice %arg8[%arg0, %mul3A_35] : memref<2x10240xf32, #tpu.memory_space<hbm>> -> memref<1x640xf32, #tpu.memory_space<hbm>>
      %dma_wait3A_42 = tpu.memref_squeeze %dma_wait3A : memref<1x640xf32, #tpu.memory_space<hbm>> -> memref<640xf32, #tpu.memory_space<hbm>>
      %dma_wait3A_43 = tpu.memref_slice %arg18[%mul3A_33] : memref<10240xf32, #tpu.memory_space<vmem_shared>> -> memref<640xf32, #tpu.memory_space<vmem_shared>>
      tpu.wait_dma2 semaphore(%run_scoped3A : memref<!tpu.dma_semaphore, #tpu.memory_space<semaphore_mem>>) src(%dma_wait3A_43 : memref<640xf32, #tpu.memory_space<vmem_shared>>) dst(%dma_wait3A_42 : memref<640xf32, #tpu.memory_space<hbm>>)
      tpu.yield
    }) : () -> ()
    %mul3A_36 = arith.constant 640 : i32
    %mul3A_37 = arith.muli %arg1, %mul3A_36 : i32
    %mul3A_38 = arith.constant 640 : i32
    %mul3A_39 = arith.muli %arg1, %mul3A_38 : i32
    "tpu.region"() ({
      %run_scoped3A = tpu.sem_alloc : memref<!tpu.dma_semaphore, #tpu.memory_space<semaphore_mem>>
      %dma_start3A = tpu.memref_slice %arg9[%arg0, %mul3A_39] : memref<2x10240xf32, #tpu.memory_space<hbm>> -> memref<1x640xf32, #tpu.memory_space<hbm>>
      %dma_start3A_40 = tpu.memref_squeeze %dma_start3A : memref<1x640xf32, #tpu.memory_space<hbm>> -> memref<640xf32, #tpu.memory_space<hbm>>
      %dma_start3A_41 = tpu.memref_slice %arg19[%mul3A_37] : memref<10240xf32, #tpu.memory_space<vmem_shared>> -> memref<640xf32, #tpu.memory_space<vmem_shared>>
      tpu.enqueue_dma source(%dma_start3A_41 : memref<640xf32, #tpu.memory_space<vmem_shared>>) target(%dma_start3A_40 : memref<640xf32, #tpu.memory_space<hbm>>) target_semaphore(%run_scoped3A : memref<!tpu.dma_semaphore, #tpu.memory_space<semaphore_mem>>)
      %dma_wait3A = tpu.memref_slice %arg9[%arg0, %mul3A_39] : memref<2x10240xf32, #tpu.memory_space<hbm>> -> memref<1x640xf32, #tpu.memory_space<hbm>>
      %dma_wait3A_42 = tpu.memref_squeeze %dma_wait3A : memref<1x640xf32, #tpu.memory_space<hbm>> -> memref<640xf32, #tpu.memory_space<hbm>>
      %dma_wait3A_43 = tpu.memref_slice %arg19[%mul3A_37] : memref<10240xf32, #tpu.memory_space<vmem_shared>> -> memref<640xf32, #tpu.memory_space<vmem_shared>>
      tpu.wait_dma2 semaphore(%run_scoped3A : memref<!tpu.dma_semaphore, #tpu.memory_space<semaphore_mem>>) src(%dma_wait3A_43 : memref<640xf32, #tpu.memory_space<vmem_shared>>) dst(%dma_wait3A_42 : memref<640xf32, #tpu.memory_space<hbm>>)
      tpu.yield
    }) : () -> ()
    return
  }
}

module attributes {stable_mosaic.version = 14 : i64} {
  func.func @_proj_body(%arg0: memref<10000x128xf32, #tpu.memory_space<vmem>>, %arg1: memref<128x128xf32, #tpu.memory_space<vmem>>, %arg2: memref<1x128xf32, #tpu.memory_space<vmem>>, %arg3: memref<1x128xf32, #tpu.memory_space<vmem>>, %arg4: memref<1x128xf32, #tpu.memory_space<vmem>>, %arg5: memref<8x10000xf32, #tpu.memory_space<vmem>>) attributes {dimension_semantics = [], scalar_prefetch = 0 : i64, scratch_operands = 0 : i64, tpu.core_type = #tpu.core_type<tc>} {
    %get3A = arith.constant 0 : index
    %get3A_0 = arith.constant 0 : index
    %get3A_1 = vector.load %arg0[%get3A, %get3A_0] : memref<10000x128xf32, #tpu.memory_space<vmem>>, vector<10000x128xf32>
    %get3A_2 = arith.constant 0 : index
    %get3A_3 = arith.constant 0 : index
    %get3A_4 = vector.load %arg1[%get3A_2, %get3A_3] : memref<128x128xf32, #tpu.memory_space<vmem>>, vector<128x128xf32>
    %dot_general3A = arith.constant dense<0.000000e+00> : vector<10000x128xf32>
    %dot_general3A_5 = tpu.matmul %get3A_1, %get3A_4, %dot_general3A {dimension_numbers = #tpu.dot_dimension_numbers<[1], [0], [0], [1], [0, 0, 1, 1], [], []>, transpose_lhs_hint = false} : vector<10000x128xf32>, vector<128x128xf32>, vector<10000x128xf32> -> vector<10000x128xf32>
    %get3A_6 = arith.constant 0 : index
    %get3A_7 = arith.constant 0 : index
    %get3A_8 = vector.load %arg2[%get3A_6, %get3A_7] : memref<1x128xf32, #tpu.memory_space<vmem>>, vector<1x128xf32>
    %get3A_9 = arith.constant 0 : index
    %get3A_10 = arith.constant 0 : index
    %get3A_11 = vector.load %arg3[%get3A_9, %get3A_10] : memref<1x128xf32, #tpu.memory_space<vmem>>, vector<1x128xf32>
    %get3A_12 = arith.constant 0 : index
    %get3A_13 = arith.constant 0 : index
    %get3A_14 = vector.load %arg4[%get3A_12, %get3A_13] : memref<1x128xf32, #tpu.memory_space<vmem>>, vector<1x128xf32>
    %broadcast_in_dim3A = arith.constant 0.000000e+00 : f32
    %broadcast_in_dim3A_15 = vector.broadcast %broadcast_in_dim3A : f32 to vector<5x128xf32>
    %concatenate3A = tpu.concatenate %get3A_8, %get3A_11, %get3A_14, %broadcast_in_dim3A_15 in 0 : vector<1x128xf32>, vector<1x128xf32>, vector<1x128xf32>, vector<5x128xf32> -> vector<8x128xf32>
    %dot_general3A_16 = arith.constant dense<0.000000e+00> : vector<8x10000xf32>
    %dot_general3A_17 = tpu.matmul %concatenate3A, %dot_general3A_5, %dot_general3A_16 {dimension_numbers = #tpu.dot_dimension_numbers<[1], [1], [0], [0], [0, 0, 1, 0], [], []>, transpose_lhs_hint = false} : vector<8x128xf32>, vector<10000x128xf32>, vector<8x10000xf32> -> vector<8x10000xf32>
    %swap3A = arith.constant 0 : index
    %swap3A_18 = arith.constant 0 : index
    %swap3A_19 = vector.load %arg5[%swap3A, %swap3A_18] : memref<8x10000xf32, #tpu.memory_space<vmem>>, vector<8x10000xf32>
    tpu.vector_store %arg5[%swap3A, %swap3A_18], %dot_general3A_17 {strides = array<i32>} : memref<8x10000xf32, #tpu.memory_space<vmem>>, vector<8x10000xf32>,
    return
  }
}

module attributes {stable_mosaic.version = 14 : i64} {
  func.func @_final_body(%arg0: memref<2x10240xf32, #tpu.memory_space<vmem>>, %arg1: memref<2x10240xf32, #tpu.memory_space<vmem>>, %arg2: memref<1x10240xf32, #tpu.memory_space<vmem>>, %arg3: memref<1x10240xf32, #tpu.memory_space<vmem>>, %arg4: memref<1x10240xf32, #tpu.memory_space<vmem>>, %arg5: memref<1x10240xi32, #tpu.memory_space<vmem>>, %arg6: memref<1x128xf32, #tpu.memory_space<vmem>>, %arg7: memref<1x128xf32, #tpu.memory_space<vmem>>, %arg8: memref<1x1xf32, #tpu.memory_space<vmem>>, %arg9: memref<1x64xf32, #tpu.memory_space<vmem>>) attributes {dimension_semantics = [], scalar_prefetch = 0 : i64, scratch_operands = 0 : i64, tpu.core_type = #tpu.core_type<tc>} {
    %get3A = arith.constant 0 : index
    %get3A_0 = arith.constant 0 : index
    %get3A_1 = vector.load %arg2[%get3A, %get3A_0] : memref<1x10240xf32, #tpu.memory_space<vmem>>, vector<1x10240xf32>
    %get3A_2 = arith.constant 0 : index
    %get3A_3 = arith.constant 0 : index
    %get3A_4 = vector.load %arg3[%get3A_2, %get3A_3] : memref<1x10240xf32, #tpu.memory_space<vmem>>, vector<1x10240xf32>
    %add3A = arith.addf %get3A_1, %get3A_4 : vector<1x10240xf32>
    %mul3A = arith.constant 2.000000e-01 : f32
    %mul3A_5 = vector.broadcast %mul3A : f32 to vector<1x10240xf32>
    %mul3A_6 = arith.mulf %add3A, %mul3A_5 : vector<1x10240xf32>
    %max3A = arith.maximumf %add3A, %mul3A_6 : vector<1x10240xf32>
    %exp3A = math.exp %max3A : vector<1x10240xf32>
    %get3A_7 = arith.constant 0 : index
    %get3A_8 = arith.constant 0 : index
    %get3A_9 = vector.load %arg0[%get3A_7, %get3A_8] : memref<2x10240xf32, #tpu.memory_space<vmem>>, vector<1x10240xf32>
    %get3A_10 = arith.constant 1 : index
    %get3A_11 = arith.constant 0 : index
    %get3A_12 = vector.load %arg0[%get3A_10, %get3A_11] : memref<2x10240xf32, #tpu.memory_space<vmem>>, vector<1x10240xf32>
    %add3A_13 = arith.addf %get3A_9, %get3A_12 : vector<1x10240xf32>
    %add3A_14 = arith.addf %add3A_13, %exp3A : vector<1x10240xf32>
    %get3A_15 = arith.constant 0 : index
    %get3A_16 = arith.constant 0 : index
    %get3A_17 = vector.load %arg1[%get3A_15, %get3A_16] : memref<2x10240xf32, #tpu.memory_space<vmem>>, vector<1x10240xf32>
    %get3A_18 = arith.constant 1 : index
    %get3A_19 = arith.constant 0 : index
    %get3A_20 = vector.load %arg1[%get3A_18, %get3A_19] : memref<2x10240xf32, #tpu.memory_space<vmem>>, vector<1x10240xf32>
    %add3A_21 = arith.addf %get3A_17, %get3A_20 : vector<1x10240xf32>
    %get3A_22 = arith.constant 0 : index
    %get3A_23 = arith.constant 0 : index
    %get3A_24 = vector.load %arg4[%get3A_22, %get3A_23] : memref<1x10240xf32, #tpu.memory_space<vmem>>, vector<1x10240xf32>
    %mul3A_25 = arith.mulf %exp3A, %get3A_24 : vector<1x10240xf32>
    %add3A_26 = arith.addf %add3A_21, %mul3A_25 : vector<1x10240xf32>
    %get3A_27 = arith.constant 0 : index
    %get3A_28 = arith.constant 0 : index
    %get3A_29 = vector.load %arg6[%get3A_27, %get3A_28] : memref<1x128xf32, #tpu.memory_space<vmem>>, vector<1x128xf32>
    %get3A_30 = arith.constant 0 : index
    %get3A_31 = arith.constant 0 : index
    %get3A_32 = vector.load %arg7[%get3A_30, %get3A_31] : memref<1x128xf32, #tpu.memory_space<vmem>>, vector<1x128xf32>
    %mul3A_33 = arith.mulf %get3A_29, %get3A_32 : vector<1x128xf32>
    %reduce_sum3A = vector.shape_cast %mul3A_33 : vector<1x128xf32> to vector<1x1x128xf32>
    %reduce_sum3A_34 = arith.constant dense<0.000000e+00> : vector<1xf32>
    %reduce_sum3A_35 = vector.multi_reduction <add>, %reduce_sum3A, %reduce_sum3A_34 [1, 2] : vector<1x1x128xf32> to vector<1xf32>
    %reduce_sum3A_36 = vector.shape_cast %reduce_sum3A_35 : vector<1xf32> to vector<1x1x1xf32>
    %reduce_sum3A_37 = vector.extract %reduce_sum3A_36[0, 0, 0] : f32 from vector<1x1x1xf32>
    %add3A_38 = arith.constant 1.000000e-16 : f32
    %add3A_39 = vector.broadcast %add3A_38 : f32 to vector<1x10240xf32>
    %add3A_40 = arith.addf %add3A_14, %add3A_39 : vector<1x10240xf32>
    %div3A = arith.divf %add3A_26, %add3A_40 : vector<1x10240xf32>
    %add3A_41 = vector.broadcast %reduce_sum3A_37 : f32 to vector<1x10240xf32>
    %add3A_42 = arith.addf %div3A, %add3A_41 : vector<1x10240xf32>
    %get3A_43 = arith.constant 0 : index
    %get3A_44 = arith.constant 0 : index
    %get3A_45 = vector.load %arg5[%get3A_43, %get3A_44] : memref<1x10240xi32, #tpu.memory_space<vmem>>, vector<1x10240xi32>
    %lt3A = arith.constant 64 : i32
    %lt3A_46 = vector.broadcast %lt3A : i32 to vector<1x10240xi32>
    %lt3A_47 = arith.cmpi slt, %get3A_45, %lt3A_46 : vector<1x10240xi32>
    %jit3A = arith.constant 0.000000e+00 : f32
    %broadcast_in_dim3A = vector.broadcast %jit3A : f32 to vector<1x10240xf32>
    %select_n3A = arith.select %lt3A_47, %add3A_42, %broadcast_in_dim3A : vector<1x10240xi1>, vector<1x10240xf32>
    %iota3A = tpu.iota {dimensions = array<i32: 0>} : vector<64x10240xi32>
    %eq3A = vector.broadcast %get3A_45 : vector<1x10240xi32> to vector<64x10240xi32>
    %eq3A_48 = arith.cmpi eq, %eq3A, %iota3A : vector<64x10240xi32>
    %jit3A_49 = arith.constant 0.000000e+00 : f32
    %broadcast_in_dim3A_50 = vector.shape_cast %select_n3A : vector<1x10240xf32> to vector<1x10240xf32>
    %broadcast_in_dim3A_51 = vector.broadcast %broadcast_in_dim3A_50 : vector<1x10240xf32> to vector<64x10240xf32>
    %broadcast_in_dim3A_52 = vector.broadcast %jit3A_49 : f32 to vector<64x10240xf32>
    %select_n3A_53 = arith.select %eq3A_48, %broadcast_in_dim3A_51, %broadcast_in_dim3A_52 : vector<64x10240xi1>, vector<64x10240xf32>
    %reduce_sum3A_54 = arith.constant dense<0.000000e+00> : vector<64xf32>
    %reduce_sum3A_55 = vector.multi_reduction <add>, %select_n3A_53, %reduce_sum3A_54 [1] : vector<64x10240xf32> to vector<64xf32>
    %convert_element_type3A = arith.extui %eq3A_48 : vector<64x10240xi1> to vector<64x10240xi32>
    %convert_element_type3A_56 = arith.sitofp %convert_element_type3A : vector<64x10240xi32> to vector<64x10240xf32>
    %reduce_sum3A_57 = arith.constant dense<0.000000e+00> : vector<64xf32>
    %reduce_sum3A_58 = vector.multi_reduction <add>, %convert_element_type3A_56, %reduce_sum3A_57 [1] : vector<64x10240xf32> to vector<64xf32>
    %max3A_59 = arith.constant 1.000000e+00 : f32
    %max3A_60 = vector.broadcast %max3A_59 : f32 to vector<64xf32>
    %max3A_61 = arith.maximumf %reduce_sum3A_58, %max3A_60 : vector<64xf32>
    %div3A_62 = arith.divf %reduce_sum3A_55, %max3A_61 : vector<64xf32>
    %get3A_63 = arith.constant 0 : index
    %get3A_64 = arith.constant 0 : index
    %get3A_65 = vector.load %arg8[%get3A_63, %get3A_64] : memref<1x1xf32, #tpu.memory_space<vmem>>, vector<1x1xf32>
    %get3A_66 = vector.extract %get3A_65[0, 0] : f32 from vector<1x1xf32>
    %add3A_67 = vector.broadcast %get3A_66 : f32 to vector<64xf32>
    %add3A_68 = arith.addf %div3A_62, %add3A_67 : vector<64xf32>
    %broadcast_in_dim3A_69 = vector.shape_cast %add3A_68 : vector<64xf32> to vector<1x64xf32>
    %swap3A = arith.constant 0 : index
    %swap3A_70 = arith.constant 0 : index
    %swap3A_71 = vector.load %arg9[%swap3A, %swap3A_70] : memref<1x64xf32, #tpu.memory_space<vmem>>, vector<1x64xf32>
    tpu.vector_store %arg9[%swap3A, %swap3A_70], %broadcast_in_dim3A_69 {strides = array<i32>} : memref<1x64xf32, #tpu.memory_space<vmem>>, vector<1x64xf32>,
    return
  }
}

</mosaic_0001>

<sc_bundles>
// kernel: kernel.5.cloned.1.call-start
scs
__scs_entry_jumppad:
0x0: {  	(pc) =	sbr.rel $0x88, $3  }
0x1: {  	(tag) =	ssettag $0x0;
	lr =	simm.s32 $0x1  }
0x2: {  	[smem:$0x3F98] =	sst lr;
	_ =	strace $0xD0000000  }
0x3: {  	_ = 	snop  }
0x4: {  	_ = 	snop  }
0x5: {  	_ = 	snop  }
0x6: {  	_ = 	snop  }
0x7: {  	_ = 	snop  }
__scs_overlays_trampoline_lowered:
0x8: {  	[smem:$0x3FA7] =	sst s0  }
0x9: {  	[smem:$0x3FA8] =	sst s1  }
0xa: {  	[smem:$0x3FA9] =	sst s2  }
0xb: {  	[smem:$0x3FAA] =	sst s3  }
0xc: {  	[smem:$0x3FAB] =	sst s4  }
0xd: {  	[smem:$0x3FAC] =	sst s5  }
0xe: {  	[smem:$0x3FAD] =	sst s6  }
0xf: {  	[smem:$0x3FAE] =	sst s7  }
0x10: {  	[smem:$0x3FAF] =	sst s8  }
0x11: {  	[smem:$0x3FB0] =	sst s9;
	s0 =	simm.s32 @!p0 $0x0  }
0x12: {  	s1 =	sld [smem:$0x3F96];
	s0 =	simm.s32 @p0 $0x1  }
0x13: {  	[smem:$0x3FB1] =	sst s0;
	s0 =	simm.s32 @!p1 $0x0  }
0x14: {  	s2 =	sld [smem:$0x3F95];
	s0 =	simm.s32 @p1 $0x1  }
0x15: {  	[smem:$0x3FB2] =	sst s0;
	s0 =	simm.s32 @!p2 $0x0  }
0x16: {  	s3 =	sld [smem:$0x3FDB];
	s0 =	simm.s32 @p2 $0x1  }
0x17: {  	s4 =	simm.s32 $0x1BF5;
	[smem:$0x3FB4] =	sst s0  }
0x18: {  	s0 =	sld [smem:$0x3F97];
	_ =	swait.ge [sflag:s4], $0x0  }
0x19: {  	s7 =	sld [smem:$0x3F98]  }
0x1a: {  	s8 =	sadd.s32 $0xFFFFE003, lr  }
0x1b: {  	s9 =	sadd.s32 $0xFFFFFEF7, lr;
	s5 =	simm.s32 $0xFFFFFFFF;
	p2 =	slt.u32 s8, $0xFFFFF086  }
0x1c: {  	p1 =	slt.u32 s9, $0xF7A;
	s5 =	simm.s32 @!p2 $0x0  }
0x1d: {  	s5 =	simm.s32 @p1 $0x1;
	p0 =	seq.s32 s7, s2  }
0x1e: {  	s7 =	smul.u32 @!p0 $0xF7A, s2;
	p2 =	seq.s32 @!p0 s5, $0x0  }
0x1f: {  	s9 =	smul.u32 $0xF7A, s1;
	s8 =	simm.s32 @!p0 $0x1BF5;
	p2 =	por !p2, p0  }
0x20: {  	[sflag:s8] =	ssyncset.s32 @!p0 $0xFFFFF086;
	s6 =	sadd.s32 @!p0 s3, s7;
	s7 =	simm.s32 @!p0 $0x108  }
0x21: {  	s3 =	sadd.s32 s3, s9;
	s6 =	sadd.s32 @!p0 $0x88, s6;
	s7 =	simm.s32 @p2 $0x1082  }
0x22: {  	[simem:s7], [sflag:s8] =	dma.local @!p0 [hbm:s6], $0xF7A  }
0x23: {  	s9 =	sor.u32 $0xD0000000, s2;
	s6 =	simm.s32 $0x108;
	_ =	swait.ge @!p0 [sflag:s8], $0x0  }
0x24: {  	s3 =	sadd.s32 $0x88, s3;
	s6 =	simm.s32 @!p1 $0x1082;
	[sflag:s4] =	ssyncset.s32 $0xFFFFF086  }
0x25: {  	[simem:s6], [sflag:s4] =	dma.local [hbm:s3], $0xF7A  }
0x26: {  	[smem:$0x3F98] =	sst s1;
	(tag) =	ssettag s2;
	_ =	strace s9  }
0x27: {  	s1 =	sld [smem:$0x3FA8]  }
0x28: {  	s2 =	sld [smem:$0x3FA9]  }
0x29: {  	s4 =	sld [smem:$0x3FAB]  }
0x2a: {  	p0 =	seq.s32 s5, $0x0;
	s5 =	sld [smem:$0x3FAC]  }
0x2b: {  	s6 =	sld [smem:$0x3FAD]  }
0x2c: {  	s7 =	sld [smem:$0x3FAE]  }
0x2d: {  	s3 =	simm.s32 $0x108;
	s8 =	sld [smem:$0x3FAF]  }
0x2e: {  	s3 =	simm.s32 @!p0 $0x1082;
	s9 =	sld [smem:$0x3FB0]  }
0x2f: {  	lr =	sadd.s32 s0, s3;
	s0 =	sld [smem:$0x3FA7]  }
0x30: {  	s3 =	sld [smem:$0x3FAA]  }
0x31: {  	[smem:$0x3FB3] =	sst s10  }
0x32: {  	s10 =	sld [smem:$0x3FB1];
	_ =	sdelay $0x3  }
0x33: {  	p0 =	seq.s32 s10, $0x1;
	s10 =	sld [smem:$0x3FB3];
	_ =	sdelay $0x3  }
0x34: {  	[smem:$0x3FB3] =	sst s10  }
0x35: {  	s10 =	sld [smem:$0x3FB2];
	_ =	sdelay $0x3  }
0x36: {  	p1 =	seq.s32 s10, $0x1;
	s10 =	sld [smem:$0x3FB3];
	_ =	sdelay $0x3  }
0x37: {  	[smem:$0x3FB3] =	sst s10  }
0x38: {  	s10 =	sld [smem:$0x3FB4]  }
0x39: {  	_ = 	snop;
	(pc) =	sbr.ind lr, $3  }
0x3a: {  	_ = 	snop  }
0x3b: {  	_ = 	snop  }
0x3c: {  	p2 =	seq.s32 s10, $0x1;
	s10 =	sld [smem:$0x3FB3]  }
0x3d: {  	_ =	shalt  }
0x3e: {  	_ =	shalt  }
0x3f: {  	_ =	shalt  }
0x40: {  	_ =	shalt  }
0x41: {  	_ =	shalt  }
0x42: {  	_ =	shalt  }
0x43: {  	_ =	shalt  }
0x44: {  	_ =	shalt  }
0x45: {  	_ =	shalt  }
0x46: {  	_ =	shalt  }
0x47: {  	_ =	shalt  }
0x48: {  	_ =	shalt  }
0x49: {  	_ =	shalt  }
0x4a: {  	_ =	shalt  }
0x4b: {  	_ =	shalt  }
0x4c: {  	_ =	shalt  }
0x4d: {  	_ =	shalt  }
0x4e: {  	_ =	shalt  }
0x4f: {  	_ =	shalt  }
0x50: {  	_ =	shalt  }
0x51: {  	_ =	shalt  }
0x52: {  	_ =	shalt  }
0x53: {  	_ =	shalt  }
0x54: {  	_ =	shalt  }
0x55: {  	_ =	shalt  }
0x56: {  	_ =	shalt  }
0x57: {  	_ =	shalt  }
0x58: {  	_ =	shalt  }
0x59: {  	_ =	shalt  }
0x5a: {  	_ =	shalt  }
0x5b: {  	_ =	shalt  }
0x5c: {  	_ =	shalt  }
0x5d: {  	_ =	shalt  }
0x5e: {  	_ =	shalt  }
0x5f: {  	_ =	shalt  }
0x60: {  	_ =	shalt  }
0x61: {  	_ =	shalt  }
0x62: {  	_ =	shalt  }
0x63: {  	_ =	shalt  }
0x64: {  	_ =	shalt  }
0x65: {  	_ =	shalt  }
0x66: {  	_ =	shalt  }
0x67: {  	_ =	shalt  }
0x68: {  	_ =	shalt  }
0x69: {  	_ =	shalt  }
0x6a: {  	_ =	shalt  }
0x6b: {  	_ =	shalt  }
0x6c: {  	_ =	shalt  }
0x6d: {  	_ =	shalt  }
0x6e: {  	_ =	shalt  }
0x6f: {  	_ =	shalt  }
0x70: {  	_ =	shalt  }
0x71: {  	_ =	shalt  }
0x72: {  	_ =	shalt  }
0x73: {  	_ =	shalt  }
0x74: {  	_ =	shalt  }
0x75: {  	_ =	shalt  }
0x76: {  	_ =	shalt  }
0x77: {  	_ =	shalt  }
0x78: {  	_ =	shalt  }
0x79: {  	_ =	shalt  }
0x7a: {  	_ =	shalt  }
0x7b: {  	_ =	shalt  }
0x7c: {  	_ =	shalt  }
0x7d: {  	_ =	shalt  }
0x7e: {  	_ =	shalt  }
0x7f: {  	_ =	shalt  }
0x80: {  	_ =	shalt  }
0x81: {  	_ =	shalt  }
0x82: {  	_ =	shalt  }
0x83: {  	_ =	shalt  }
0x84: {  	_ =	shalt  }
0x85: {  	_ =	shalt  }
0x86: {  	_ =	shalt  }
0x87: {  	_ =	shalt  }
.Lfunc_end0:
.L_simem_size_0:
called_computation_lowered:
.L_overlay_start_0:
0x88: {  	s2 =	sld [smem:$0x3FD9]  }
0x89: {  	s3 =	sld [smem:$0x3FFE];
	_ =	sdelay $0x1  }
0x8a: {  	s1 =	srdreg.scid  }
0x8b: {  	s0 =	sand.u32 $0x1, s1  }
0x8c: {  	s16 =	sshll.u32 s0, $0xA;
	s2 =	sadd.s32 s3, s2  }
0x8d: {  	s2 =	sadd.s32 s2, s16  }
0x8e: {  	[smem:$0x3FBF] =	sst s2  }
0x8f: {  	_ = 	snop  }
0x90: {  	(tm) =	ssettm $0x1  }
0x91: {  	s17 =	sld [smem:$0x3FFB];
	_ =	sdelay $0x3  }
0x92: {  	_ =	strace s17  }
0x93: {  	s2 =	sld [smem:$0x3FFC];
	_ =	sdelay $0x3  }
0x94: {  	_ =	strace s2  }
0x95: {  	s2 =	sld [smem:$0x3FFD];
	_ =	sdelay $0x3  }
0x96: {  	_ =	strace s2  }
0x97: {  	_ =	strace $0x8FFFFFFF  }
0x98: {  	s18 =	sld [smem:$0x3FDB];
	_ =	sdelay $0x1  }
0x99: {  	s19 =	simm.s32 $_scs_section_size  }
0x9a: {  	s4 =	simm.s32 $_size__tile_overlayer_lowered;
	s5 =	simm.s32 $_tile_overlayer_lowered  }
0x9b: {  	s22 =	simm.s32 $0x1BFF;
	s21 =	sshll.u32 s5, $0x1;
	s2 =	sadd.s32 s19, s18  }
0x9c: {  	s6 =	simm.s32 $0x0;
	s20 =	sshll.u32 s4, $0x1;
	s4 =	sadd.s32 s21, s2  }
0x9d: {  	[timem:s6], [sflag:s22] =	dma.local [hbm:s4], s20  }
0x9e: {  	_ =	swait.ge [sflag:s22], s20  }
0x9f: {  	s3 =	ssub.s32 $0x0, s20;
	[sflag:s22] =	ssyncset.done $0x0  }
0xa0: {  	[sflag:s22] =	ssyncadd.s32 s3;
	_ =	sdelay $0x1  }
0xa1: {  	s23 =	simm.s32 $0x1B8B  }
0xa2: {  	_ =	swait.ge [sflag:s23], $0x1  }
0xa3: {  	[sflag:s23] =	ssyncset.done $0x0  }
0xa4: {  	s25 =	simm.s32 $0x1B8E;
	s24 =	sld [smem:$0x3FFE];
	[sflag:s23] =	ssyncadd.s32 $0xFFFFFFFF  }
0xa5: {  	s26 =	simm.s32 $execute0_lowered;
	[smem:$0x3FD2] =	sst s25  }
0xa6: {  	s4 =	sshll.u32 s26, $0x1;
	_ =	strace $0x80000046;
	[dreg:$0x1] =	wrdreg $0xFFFFFFFF  }
0xa7: {  	s28 =	simm.s32 $_size_execute0_lowered;
	s2 =	sadd.s32 s2, s4;
	[dreg:$0x0] =	wrdreg $0x0  }
0xa8: {  	s4 =	sshll.u32 s28, $0x1;
	[dreg:$0x2] =	wrdreg s2  }
0xa9: {  	[dreg:$0x3] =	wrdreg s4  }
0xaa: {  	[dreg:$0x4] =	wrdreg $0xC0  }
0xab: {  	_ =	task [dreg:s6], $0x5FFFF  }
0xac: {  	[dreg:$0x1] =	wrdreg $0xFFFFFFFF  }
0xad: {  	[dreg:$0x0] =	wrdreg $0x60  }
0xae: {  	[dreg:$0x2] =	wrdreg s24  }
0xaf: {  	[dreg:$0x3] =	wrdreg $0x11A800  }
0xb0: {  	[dreg:$0x4] =	wrdreg $0x11D000  }
0xb1: {  	[dreg:$0x5] =	wrdreg $0x9  }
0xb2: {  	_ =	task.clear_ibuf [dreg:s6], $0x6FFFF;
	_ =	strace $0x90000046  }
0xb3: {  	s29 =	simm.s32 $0x9;
	_ =	strace $0x80000048  }
0xb4: {  	_ =	swait.ge [sflag:s29], $0x1  }
0xb5: {  	[sflag:s29] =	ssyncadd.s32 $0xFFFFFFFF  }
0xb6: {  	_ =	strace $0x90000048  }
0xb7: {  	_ =	sfence  }
0xb8: {  	s30 =	sld [smem:$0x0];
	_ =	sdelay $0x2  }
0xb9: {  	s31 =	sshll.u32 s1, $0xD;
	s1 =	sshrl.u32 s1, $0x2  }
0xba: {  	s3 =	sand.u32 $0x4000, s31;
	s1 =	sadd.s32 s1, s30  }
0xbb: {  	s0 =	sor.u32 s3, s0;
	s1 =	sshll.u32 s1, $0x11  }
0xbc: {  	s0 =	sor.u32 s1, s0  }
0xbd: {  	s0 =	sadd.s32 $0x8F2B, s0  }
0xbe: {  	[sflag:s0] =	ssyncadd.remote.s32 $0x1  }
0xbf: {  	_ =	sfence.sel $0xFFFF  }
0xc0: {  	[dreg:$0x0] =	wrdreg $0xFFFFFFFF;
	(pc) =	sbr.abs _section_cstart, $3  }
0xc1: {  	[dreg:$0x1] =	wrdreg $0xFFFFFFFF  }
0xc2: {  	_ =	task.clear_ibuf [dreg:s6], $0x2FFFF;
	_ =	strace $0x9FFFFFFF  }
0xc3: {  	(tm) =	ssettm $0x7FFFFFFF  }
tec
execute0_lowered:
.L_overlay_start_1:
0x0: {  	(tag) =	ssettag $0x1  }
0x1: {  	s1 =	rddreg [dreg:$0x0]  }
0x2: {  	s2 =	rddreg [dreg:$0x1]  }
0x3: {  	s0 =	srdreg.scid;
	s3 =	rddreg [dreg:$0x2];
	s20 =	simm.s32 $0x1  }
0x4: {  	s21 =	simm.s32 $0xA000;
	s28 =	simm.s32 $0x80;
	s29 =	simm.s32 $0x20  }
0x5: {  	s30 =	simm.s32 $0x10;
	s31 =	simm.s32 $0x0;
	s5 =	sand.u32 $0x1, s0  }
0x6: {  	s0 =	stileid.u32;
	s24 =	sadd.s32 $0x16400, s1;
	s25 =	sadd.s32 $0x16000, s1  }
0x7: {  	v0 =	vimm.s32 $0x0;
	s7 =	sadd.s32 $0x1400, s1;
	s12 =	sadd.s32 $0xC100, s1;
	s13 =	sadd.s32 $0x15D80, s1  }
0x8: {  	v1 =	vimm.s32 $0x2780;
	v2 =	vimm.s32 $0x2781;
	v3 =	vimm.s32 $0x2782;
	s4 =	sshll.u32 s5, $0x4;
	s8 =	smul.u32 $0x500, s0;
	s9 =	sshll.u32 s5, $0x7  }
0x9: {  	v4 =	vimm.s32 $0x2783;
	v5 =	vimm.s32 $0x2784;
	v6 =	vimm.s32 $0x2785;
	s5 =	ssub.s32 $0x2, s5;
	s15 =	smul.u32 $0x280, s0;
	s19 =	sor.u32 s0, s4  }
0xa: {  	v7 =	vimm.s32 $0x2786;
	v8 =	vimm.s32 $0x2787;
	v9 =	vimm.s32 $0x2788;
	s4 =	simm.s32 $0x0;
	s26 =	sshrl.u32 s5, $0x1;
	s6 =	smul.u32 $0x2800, s19  }
0xb: {  	v10 =	vimm.s32 $0x2789;
	v11 =	vimm.s32 $0x278A;
	v12 =	vimm.s32 $0x278B;
	[smem:$0x7FF] =	sst s4;
	s9 =	sor.u32 s9, s8;
	s8 =	sadd.s32 $0x1A00, s1  }
0xc: {  	v13 =	vimm.s32 $0x278C;
	v14 =	vimm.s32 $0x278D;
	v15 =	vimm.s32 $0x278E;
	s5 =	ssub.s32 s5, s26;
	s14 =	sadd.s32 s15, s2;
	s15 =	sadd.s32 s15, s3  }
0xd: {  	v16 =	vimm.s32 $0x278F;
	v17 =	vimm.s32 $0x2790;
	v18 =	vimm.s32 $0x2791;
	p0 =	seq.s32 s19, $0x1F;
	_ =	strace $0x80000047;
	[dreg:$0x4] =	wrdreg s24  }
0xe: {  	v19 =	vimm.s32 $0x2792;
	v20 =	vimm.s32 $0x2793;
	v21 =	vimm.s32 $0x2794;
	s19 =	simm.s32 $0x7800;
	s26 =	simm.s32 $0x11800;
	[dreg:$0x5] =	wrdreg s25  }
0xf: {  	v22 =	vimm.s32 $0x2795;
	v23 =	vimm.s32 $0x2796;
	v24 =	vimm.s32 $0x2797;
	s10 =	sshrl.u32 s9, $0x3;
	s9 =	sadd.s32 $0x2000, s1;
	s18 =	smax.u32 s5, $0x1  }
0x10: {  	v25 =	vimm.s32 $0x2798;
	v26 =	vimm.s32 $0x2799;
	v27 =	vimm.s32 $0x279A;
	s24 =	simm.s32 $0x2800;
	s6 =	sshrl.u32 s6, $0x3;
	s17 =	sadd.s32 s10, s1  }
0x11: {  	v28 =	vimm.s32 $0x279B;
	v29 =	vimm.s32 $0x279C;
	v30 =	vimm.s32 $0x279D;
	s25 =	simm.s32 $0x5000;
	s11 =	sadd.s32 s6, s1;
	s16 =	sadd.s32 $0x16800, s17  }
0x12: {  	v31 =	vimm.s32 $0x279E;
	v32 =	vimm.s32 $0x279F;
	v33 =	vimm.f32 $0.0e+00;
	s17 =	sadd.s32 $0x17200, s17;
	s10 =	sadd.s32 $0x2600, s11;
	s11 =	sadd.s32 $0xC280, s11  }
.LBB2_1:
.Ltmp0:
0x13: {  	(pc) =	sbr.rel @!p0 .LBB2_2-.Ltmp0, $1  }
0x14: {  	_ =	sdelay $0x3  }
0x15: {  	[tilespmem:s19], [sflag:$0x1] =	stream.linear.gather [hbm4b:s12+s4], $0xC00, $0x38;
	[tilespmem:$0x11F80] =	vst v63  }
0x16: {  	_ =	swait.ge [sflag:s20], $0xC00  }
0x17: {  	[sflag:s20] =	ssyncset.done $0x0  }
0x18: {  	[sflag:s20] =	ssyncadd.s32 $0xFFFFF400  }
0x19: {  	[tilespmem:s21], [sflag:$0x1] =	stream.linear.gather [hbm4b:s13+s4], $0xC00, $0x38;
	[tilespmem:$0x11F80] =	vst v63  }
0x1a: {  	_ =	swait.ge [sflag:s20], $0xC00  }
0x1b: {  	[sflag:s20] =	ssyncset.done $0x0  }
0x1c: {  	s5 =	simm.s32 $0x8400;
	s1 =	rddreg [dreg:$0x4];
	[sflag:s20] =	ssyncadd.s32 $0xFFFFF400  }
0x1d: {  	[tilespmem:s5], [sflag:$0x1] =	stream.linear.gather [hbm4b:s1+s4], $0x1C00, $0x38;
	[tilespmem:$0x11F80] =	vst v63  }
0x1e: {  	_ =	swait.ge [sflag:s20], $0x1C00  }
0x1f: {  	[sflag:s20] =	ssyncset.done $0x0  }
0x20: {  	s23 =	simm.s32 $0xAC00;
	s22 =	rddreg [dreg:$0x5];
	[sflag:s20] =	ssyncadd.s32 $0xFFFFE400  }
0x21: {  	[tilespmem:s23], [sflag:$0x1] =	stream.linear.gather [hbm4b:s22+s4], $0x1C00, $0x38;
	[tilespmem:$0x11F80] =	vst v63  }
0x22: {  	_ =	swait.ge [sflag:s20], $0x1C00  }
0x23: {  	[sflag:s20] =	ssyncset.done $0x0  }
0x24: {  	[sflag:s20] =	ssyncadd.s32 $0xFFFFE400  }
0x25: {  	[tilespmem:$0x8200] =	vst v0  }
0x26: {  	[tilespmem:$0xAA00] =	vst v1  }
0x27: {  	[tilespmem:$0x8210] =	vst v0  }
0x28: {  	[tilespmem:$0xAA10] =	vst v2  }
0x29: {  	[tilespmem:$0x8220] =	vst v0  }
0x2a: {  	[tilespmem:$0xAA20] =	vst v3  }
0x2b: {  	[tilespmem:$0x8230] =	vst v0  }
0x2c: {  	[tilespmem:$0xAA30] =	vst v4  }
0x2d: {  	[tilespmem:$0x8240] =	vst v0  }
0x2e: {  	[tilespmem:$0xAA40] =	vst v5  }
0x2f: {  	[tilespmem:$0x8250] =	vst v0  }
0x30: {  	[tilespmem:$0xAA50] =	vst v6  }
0x31: {  	[tilespmem:$0x8260] =	vst v0  }
0x32: {  	[tilespmem:$0xAA60] =	vst v7  }
0x33: {  	[tilespmem:$0x8270] =	vst v0  }
0x34: {  	[tilespmem:$0xAA70] =	vst v8  }
0x35: {  	[tilespmem:$0x8280] =	vst v0  }
0x36: {  	[tilespmem:$0xAA80] =	vst v9  }
0x37: {  	[tilespmem:$0x8290] =	vst v0  }
0x38: {  	[tilespmem:$0xAA90] =	vst v10  }
0x39: {  	[tilespmem:$0x82A0] =	vst v0  }
0x3a: {  	[tilespmem:$0xAAA0] =	vst v11  }
0x3b: {  	[tilespmem:$0x82B0] =	vst v0  }
0x3c: {  	[tilespmem:$0xAAB0] =	vst v12  }
0x3d: {  	[tilespmem:$0x82C0] =	vst v0  }
0x3e: {  	[tilespmem:$0xAAC0] =	vst v13  }
0x3f: {  	[tilespmem:$0x82D0] =	vst v0  }
0x40: {  	[tilespmem:$0xAAD0] =	vst v14  }
0x41: {  	[tilespmem:$0x82E0] =	vst v0  }
0x42: {  	[tilespmem:$0xAAE0] =	vst v15  }
0x43: {  	[tilespmem:$0x82F0] =	vst v0  }
0x44: {  	[tilespmem:$0xAAF0] =	vst v16  }
0x45: {  	[tilespmem:$0x8300] =	vst v0  }
0x46: {  	[tilespmem:$0xAB00] =	vst v17  }
0x47: {  	[tilespmem:$0x8310] =	vst v0  }
0x48: {  	[tilespmem:$0xAB10] =	vst v18  }
0x49: {  	[tilespmem:$0x8320] =	vst v0  }
0x4a: {  	[tilespmem:$0xAB20] =	vst v19  }
0x4b: {  	[tilespmem:$0x8330] =	vst v0  }
0x4c: {  	[tilespmem:$0xAB30] =	vst v20  }
0x4d: {  	[tilespmem:$0x8340] =	vst v0  }
0x4e: {  	[tilespmem:$0xAB40] =	vst v21  }
0x4f: {  	[tilespmem:$0x8350] =	vst v0  }
0x50: {  	[tilespmem:$0xAB50] =	vst v22  }
0x51: {  	[tilespmem:$0x8360] =	vst v0  }
0x52: {  	[tilespmem:$0xAB60] =	vst v23  }
0x53: {  	[tilespmem:$0x8370] =	vst v0  }
0x54: {  	[tilespmem:$0xAB70] =	vst v24  }
0x55: {  	[tilespmem:$0x8380] =	vst v0  }
0x56: {  	[tilespmem:$0xAB80] =	vst v25  }
0x57: {  	[tilespmem:$0x8390] =	vst v0  }
0x58: {  	[tilespmem:$0xAB90] =	vst v26  }
0x59: {  	[tilespmem:$0x83A0] =	vst v0  }
0x5a: {  	[tilespmem:$0xABA0] =	vst v27  }
0x5b: {  	[tilespmem:$0x83B0] =	vst v0  }
0x5c: {  	[tilespmem:$0xABB0] =	vst v28  }
0x5d: {  	[tilespmem:$0x83C0] =	vst v0  }
0x5e: {  	[tilespmem:$0xABC0] =	vst v29  }
0x5f: {  	[tilespmem:$0x83D0] =	vst v0  }
.Ltmp1:
0x60: {  	[tilespmem:$0xABD0] =	vst v30;
	(pc) =	sbr.rel .LBB2_4-.Ltmp1, $4  }
0x61: {  	[tilespmem:$0x83E0] =	vst v0  }
0x62: {  	[tilespmem:$0xABE0] =	vst v31  }
0x63: {  	[tilespmem:$0x83F0] =	vst v0  }
0x64: {  	[tilespmem:$0xABF0] =	vst v32  }
.LBB2_2:
0x65: {  	[tilespmem:s19], [sflag:$0x1] =	stream.linear.gather [hbm4b:s10+s4], $0x2800, $0x38;
	[tilespmem:$0x11F80] =	vst v63  }
0x66: {  	_ =	swait.ge [sflag:s20], $0x2800  }
0x67: {  	[sflag:s20] =	ssyncset.done $0x0  }
0x68: {  	[sflag:s20] =	ssyncadd.s32 $0xFFFFD800  }
0x69: {  	[tilespmem:s21], [sflag:$0x1] =	stream.linear.gather [hbm4b:s11+s4], $0x2800, $0x38;
	[tilespmem:$0x11F80] =	vst v63  }
0x6a: {  	_ =	swait.ge [sflag:s20], $0x2800  }
0x6b: {  	[sflag:s20] =	ssyncset.done $0x0  }
0x6c: {  	[sflag:s20] =	ssyncadd.s32 $0xFFFFD800  }
.LBB2_4:
0x6d: {  	s1 =	simm.s32 $0x0  }
0x6e: {  	[tilespmem:s1], [sflag:$0x1] =	stream.linear.gather [hbm4b:s7+s1], $0x2800, $0x38;
	[tilespmem:$0x11F80] =	vst v63  }
0x6f: {  	_ =	swait.ge [sflag:s20], $0x2800  }
0x70: {  	[sflag:s20] =	ssyncset.done $0x0  }
0x71: {  	[sflag:s20] =	ssyncadd.s32 $0xFFFFD800  }
0x72: {  	[tilespmem:s24], [sflag:$0x1] =	stream.linear.gather [hbm4b:s8+s1], $0x2800, $0x38;
	[tilespmem:$0x11F80] =	vst v63  }
0x73: {  	_ =	swait.ge [sflag:s20], $0x2800  }
0x74: {  	[sflag:s20] =	ssyncset.done $0x0  }
0x75: {  	[sflag:s20] =	ssyncadd.s32 $0xFFFFD800  }
0x76: {  	[tilespmem:s25], [sflag:$0x1] =	stream.linear.gather [hbm4b:s9+s1], $0x2800, $0x38;
	[tilespmem:$0x11F80] =	vst v63  }
0x77: {  	_ =	swait.ge [sflag:s20], $0x2800  }
0x78: {  	[sflag:s20] =	ssyncset.done $0x0  }
0x79: {  	[sflag:s20] =	ssyncadd.s32 $0xFFFFD800  }
0x7a: {  	[tilespmem:$0x11800] =	vst v33  }
0x7b: {  	[tilespmem:$0x11810] =	vst v33  }
0x7c: {  	[tilespmem:$0x11820] =	vst v33  }
0x7d: {  	[tilespmem:$0x11830] =	vst v33  }
0x7e: {  	[tilespmem:$0x11840] =	vst v33  }
0x7f: {  	[tilespmem:$0x11850] =	vst v33  }
0x80: {  	[tilespmem:$0x11860] =	vst v33  }
0x81: {  	[tilespmem:$0x11870] =	vst v33  }
0x82: {  	[tilespmem:$0x11880] =	vst v33  }
0x83: {  	[tilespmem:$0x11890] =	vst v33  }
0x84: {  	[tilespmem:$0x118A0] =	vst v33  }
0x85: {  	[tilespmem:$0x118B0] =	vst v33  }
0x86: {  	[tilespmem:$0x118C0] =	vst v33  }
0x87: {  	[tilespmem:$0x118D0] =	vst v33  }
0x88: {  	[tilespmem:$0x118E0] =	vst v33  }
0x89: {  	[tilespmem:$0x118F0] =	vst v33  }
0x8a: {  	[tilespmem:$0x11900] =	vst v33  }
0x8b: {  	[tilespmem:$0x11910] =	vst v33  }
0x8c: {  	[tilespmem:$0x11920] =	vst v33  }
0x8d: {  	[tilespmem:$0x11930] =	vst v33  }
0x8e: {  	[tilespmem:$0x11940] =	vst v33  }
0x8f: {  	[tilespmem:$0x11950] =	vst v33  }
0x90: {  	[tilespmem:$0x11960] =	vst v33  }
0x91: {  	[tilespmem:$0x11970] =	vst v33  }
0x92: {  	[tilespmem:$0x11980] =	vst v33  }
0x93: {  	[tilespmem:$0x11990] =	vst v33  }
0x94: {  	[tilespmem:$0x119A0] =	vst v33  }
0x95: {  	[tilespmem:$0x119B0] =	vst v33  }
0x96: {  	[tilespmem:$0x119C0] =	vst v33  }
0x97: {  	[tilespmem:$0x119D0] =	vst v33  }
0x98: {  	[tilespmem:$0x119E0] =	vst v33  }
0x99: {  	[tilespmem:$0x119F0] =	vst v33  }
0x9a: {  	[tilespmem:$0x11A00] =	vst v33  }
0x9b: {  	[tilespmem:$0x11A10] =	vst v33  }
0x9c: {  	[tilespmem:$0x11A20] =	vst v33  }
0x9d: {  	[tilespmem:$0x11A30] =	vst v33  }
0x9e: {  	[tilespmem:$0x11A40] =	vst v33  }
0x9f: {  	[tilespmem:$0x11A50] =	vst v33  }
0xa0: {  	[tilespmem:$0x11A60] =	vst v33  }
0xa1: {  	[tilespmem:$0x11A70] =	vst v33  }
0xa2: {  	[spmem:s14] =	stream.linear.scatter [tilespmem:s26], [sflag:$0x1], $0x280, $0x38;
	[tilespmem:$0x11F80] =	vst v63  }
0xa3: {  	_ =	swait.ge [sflag:s20], $0x280  }
0xa4: {  	[sflag:s20] =	ssyncset.done $0x0  }
0xa5: {  	[sflag:s20] =	ssyncadd.s32 $0xFFFFFD80  }
0xa6: {  	[spmem:s15] =	stream.linear.scatter [tilespmem:s26], [sflag:$0x1], $0x280, $0x38;
	[tilespmem:$0x11F80] =	vst v63  }
0xa7: {  	_ =	swait.ge [sflag:s20], $0x280  }
0xa8: {  	[sflag:s20] =	ssyncset.done $0x0  }
0xa9: {  	[sflag:s20] =	ssyncadd.s32 $0xFFFFFD80  }
0xaa: {  	s22 =	simm.s32 $0x0;
	[bflag:$0x0] =	sbarrier.arrive $0xFFFF  }
0xab: {  	v34 =	vld [tilespmem:s22+$0x7800]  }
0xac: {  	v35 =	vld [tilespmem:s22+$0xA000];
	_ =	sdelay $0x6  }
0xad: {  	v36 =	vld.idx.msk [tilespmem:v34+s1+$0x0], $0xffff  }
0xae: {  	v35 =	vld.idx.msk [tilespmem:v35+s24+$0x0], $0xffff;
	_ =	sdelay $0x4  }
0xaf: {  	v35 =	vadd.f32 v35, v36;
	_ =	sdelay $0x1  }
0xb0: {  	v36 =	vmul.f32 $2.000000030e-01, v35;
	_ =	sdelay $0x1  }
0xb1: {  	v35 =	vmax.f32 v35, v36  }
0xb2: {  	v35 =	vmul.f32 $1.442695020e+00, v35;
	_ =	sdelay $0x1  }
0xb3: {  	(erf) = vpow2.f32 v35;
	_ =	sdelay $0x3  }
0xb4: {  	v62 =	vld [tilespmem:s22+$0x7810]  }
0xb5: {  	v34 =	vld.idx.msk [tilespmem:v34+s25+$0x0], $0xffff  }
0xb6: {  	v63 =	vld [tilespmem:s22+$0xA010];
	_ =	sdelay $0x2  }
0xb7: {  	v37 =	vpop (erf)  }
0xb8: {  	v34 =	vmul.f32 v37, v34  }
0xb9: {  	[tilespmem:s22+$0xC800] =	vst v37  }
0xba: {  	[tilespmem:s22+$0xF000] =	vst v34  }
0xbb: {  	v34 =	vld.idx.msk [tilespmem:v62+s1+$0x0], $0xffff  }
0xbc: {  	v36 =	vld.idx.msk [tilespmem:v63+s24+$0x0], $0xffff;
	_ =	sdelay $0x4  }
0xbd: {  	v34 =	vadd.f32 v36, v34;
	_ =	sdelay $0x1  }
0xbe: {  	v36 =	vmul.f32 $2.000000030e-01, v34;
	_ =	sdelay $0x1  }
0xbf: {  	v34 =	vmax.f32 v34, v36  }
0xc0: {  	v34 =	vmul.f32 $1.442695020e+00, v34;
	_ =	sdelay $0x1  }
0xc1: {  	(erf) = vpow2.f32 v34;
	_ =	sdelay $0x3  }
0xc2: {  	v41 =	vld [tilespmem:s22+$0x7820]  }
0xc3: {  	v40 =	vld.idx.msk [tilespmem:v62+s25+$0x0], $0xffff  }
0xc4: {  	v42 =	vld [tilespmem:s22+$0xA020];
	_ =	sdelay $0x2  }
0xc5: {  	v43 =	vpop (erf)  }
0xc6: {  	v34 =	vmul.f32 v43, v40  }
0xc7: {  	[tilespmem:s22+$0xC810] =	vst v43  }
0xc8: {  	[tilespmem:s22+$0xF010] =	vst v34  }
0xc9: {  	v34 =	vld.idx.msk [tilespmem:v41+s1+$0x0], $0xffff  }
0xca: {  	v36 =	vld.idx.msk [tilespmem:v42+s24+$0x0], $0xffff;
	_ =	sdelay $0x4  }
0xcb: {  	v34 =	vadd.f32 v36, v34;
	_ =	sdelay $0x1  }
0xcc: {  	v36 =	vmul.f32 $2.000000030e-01, v34;
	_ =	sdelay $0x1  }
0xcd: {  	v34 =	vmax.f32 v34, v36  }
0xce: {  	v34 =	vmul.f32 $1.442695020e+00, v34;
	_ =	sdelay $0x1  }
0xcf: {  	(erf) = vpow2.f32 v34;
	_ =	sdelay $0x3  }
0xd0: {  	v45 =	vld [tilespmem:s22+$0x7830]  }
0xd1: {  	v44 =	vld.idx.msk [tilespmem:v41+s25+$0x0], $0xffff  }
0xd2: {  	v46 =	vld [tilespmem:s22+$0xA030];
	_ =	sdelay $0x2  }
0xd3: {  	v47 =	vpop (erf)  }
0xd4: {  	v34 =	vmul.f32 v47, v44  }
0xd5: {  	[tilespmem:s22+$0xC820] =	vst v47  }
0xd6: {  	[tilespmem:s22+$0xF020] =	vst v34  }
0xd7: {  	v34 =	vld.idx.msk [tilespmem:v45+s1+$0x0], $0xffff  }
0xd8: {  	v36 =	vld.idx.msk [tilespmem:v46+s24+$0x0], $0xffff;
	_ =	sdelay $0x4  }
0xd9: {  	v34 =	vadd.f32 v36, v34;
	_ =	sdelay $0x1  }
0xda: {  	v36 =	vmul.f32 $2.000000030e-01, v34;
	_ =	sdelay $0x1  }
0xdb: {  	v34 =	vmax.f32 v34, v36  }
0xdc: {  	v34 =	vmul.f32 $1.442695020e+00, v34;
	_ =	sdelay $0x1  }
0xdd: {  	(erf) = vpow2.f32 v34;
	_ =	sdelay $0x3  }
0xde: {  	v49 =	vld [tilespmem:s22+$0x7840]  }
0xdf: {  	v48 =	vld.idx.msk [tilespmem:v45+s25+$0x0], $0xffff  }
0xe0: {  	v50 =	vld [tilespmem:s22+$0xA040];
	_ =	sdelay $0x2  }
0xe1: {  	v51 =	vpop (erf)  }
0xe2: {  	v34 =	vmul.f32 v51, v48  }
0xe3: {  	[tilespmem:s22+$0xC830] =	vst v51  }
0xe4: {  	[tilespmem:s22+$0xF030] =	vst v34  }
0xe5: {  	v34 =	vld.idx.msk [tilespmem:v49+s1+$0x0], $0xffff  }
0xe6: {  	v36 =	vld.idx.msk [tilespmem:v50+s24+$0x0], $0xffff;
	_ =	sdelay $0x4  }
0xe7: {  	v34 =	vadd.f32 v36, v34;
	_ =	sdelay $0x1  }
0xe8: {  	v36 =	vmul.f32 $2.000000030e-01, v34;
	_ =	sdelay $0x1  }
0xe9: {  	v34 =	vmax.f32 v34, v36  }
0xea: {  	v34 =	vmul.f32 $1.442695020e+00, v34;
	_ =	sdelay $0x1  }
0xeb: {  	(erf) = vpow2.f32 v34;
	_ =	sdelay $0x3  }
0xec: {  	v53 =	vld [tilespmem:s22+$0x7850]  }
0xed: {  	v52 =	vld.idx.msk [tilespmem:v49+s25+$0x0], $0xffff  }
0xee: {  	v54 =	vld [tilespmem:s22+$0xA050];
	_ =	sdelay $0x2  }
0xef: {  	v55 =	vpop (erf)  }
0xf0: {  	v34 =	vmul.f32 v55, v52  }
0xf1: {  	[tilespmem:s22+$0xC840] =	vst v55  }
0xf2: {  	[tilespmem:s22+$0xF040] =	vst v34  }
0xf3: {  	v34 =	vld.idx.msk [tilespmem:v53+s1+$0x0], $0xffff  }
0xf4: {  	v36 =	vld.idx.msk [tilespmem:v54+s24+$0x0], $0xffff;
	_ =	sdelay $0x4  }
0xf5: {  	v34 =	vadd.f32 v36, v34;
	_ =	sdelay $0x1  }
0xf6: {  	v36 =	vmul.f32 $2.000000030e-01, v34;
	_ =	sdelay $0x1  }
0xf7: {  	v34 =	vmax.f32 v34, v36  }
0xf8: {  	v34 =	vmul.f32 $1.442695020e+00, v34;
	_ =	sdelay $0x1  }
0xf9: {  	(erf) = vpow2.f32 v34;
	_ =	sdelay $0x3  }
0xfa: {  	v57 =	vld [tilespmem:s22+$0x7860]  }
0xfb: {  	v56 =	vld.idx.msk [tilespmem:v53+s25+$0x0], $0xffff  }
0xfc: {  	v58 =	vld [tilespmem:s22+$0xA060];
	_ =	sdelay $0x2  }
0xfd: {  	v59 =	vpop (erf)  }
0xfe: {  	v34 =	vmul.f32 v59, v56  }
0xff: {  	[tilespmem:s22+$0xC850] =	vst v59  }
0x100: {  	[tilespmem:s22+$0xF050] =	vst v34  }
0x101: {  	v34 =	vld.idx.msk [tilespmem:v57+s1+$0x0], $0xffff  }
0x102: {  	v36 =	vld.idx.msk [tilespmem:v58+s24+$0x0], $0xffff;
	_ =	sdelay $0x4  }
0x103: {  	v34 =	vadd.f32 v36, v34;
	_ =	sdelay $0x1  }
0x104: {  	v36 =	vmul.f32 $2.000000030e-01, v34;
	_ =	sdelay $0x1  }
0x105: {  	v34 =	vmax.f32 v34, v36  }
0x106: {  	v34 =	vmul.f32 $1.442695020e+00, v34;
	_ =	sdelay $0x1  }
0x107: {  	(erf) = vpow2.f32 v34;
	_ =	sdelay $0x3  }
0x108: {  	v61 =	vld [tilespmem:s22+$0x7870]  }
0x109: {  	v60 =	vld.idx.msk [tilespmem:v57+s25+$0x0], $0xffff  }
0x10a: {  	v62 =	vld [tilespmem:s22+$0xA070];
	_ =	sdelay $0x2  }
0x10b: {  	v63 =	vpop (erf)  }
0x10c: {  	v34 =	vmul.f32 v63, v60  }
0x10d: {  	[tilespmem:s22+$0xC860] =	vst v63  }
0x10e: {  	[tilespmem:s22+$0xF060] =	vst v34  }
0x10f: {  	v34 =	vld.idx.msk [tilespmem:v61+s1+$0x0], $0xffff  }
0x110: {  	v36 =	vld.idx.msk [tilespmem:v62+s24+$0x0], $0xffff;
	_ =	sdelay $0x4  }
0x111: {  	v34 =	vadd.f32 v36, v34;
	_ =	sdelay $0x1  }
0x112: {  	v36 =	vmul.f32 $2.000000030e-01, v34;
	_ =	sdelay $0x1  }
0x113: {  	v34 =	vmax.f32 v34, v36  }
0x114: {  	v36 =	vmul.f32 $1.442695020e+00, v34;
	_ =	sdelay $0x1  }
0x115: {  	s23 =	simm.s32 $0x200;
	s5 =	simm.s32 $0x400;
	v34 =	vld.idx.msk [tilespmem:v61+s25+$0x0], $0xffff;
	(erf) = vpow2.f32 v36  }
.LBB2_5:
0x116: {  	_ =	sdelay $0x1  }
0x117: {  	p1 =	sne.s32 s5, $0x9E00  }
0x118: {  	s6 =	sshra.s32 s23, $0x2;
	s23 =	smov.u32 s5;
	s5 =	sadd.s32 $0x200, s5  }
0x119: {  	v35 =	vld [tilespmem:s6+$0x7800]  }
0x11a: {  	v36 =	vld [tilespmem:s6+$0xA000];
	_ =	sdelay $0x2  }
0x11b: {  	v37 =	vpop (erf)  }
0x11c: {  	[tilespmem:s22+$0xC870] =	vst v37;
	v34 =	vmul.f32 v37, v34;
	_ =	sdelay $0x1  }
0x11d: {  	[tilespmem:s22+$0xF070] =	vst v34;
	s22 =	smov.u32 s6  }
0x11e: {  	v34 =	vld.idx.msk [tilespmem:v35+s1+$0x0], $0xffff  }
0x11f: {  	v36 =	vld.idx.msk [tilespmem:v36+s24+$0x0], $0xffff;
	_ =	sdelay $0x5  }
0x120: {  	v34 =	vadd.f32 v36, v34;
	_ =	sdelay $0x1  }
0x121: {  	v36 =	vmul.f32 $2.000000030e-01, v34;
	_ =	sdelay $0x1  }
0x122: {  	v34 =	vmax.f32 v34, v36  }
0x123: {  	v34 =	vmul.f32 $1.442695020e+00, v34;
	_ =	sdelay $0x1  }
0x124: {  	(erf) = vpow2.f32 v34;
	_ =	sdelay $0x2  }
0x125: {  	v34 =	vld [tilespmem:s22+$0xA010]  }
0x126: {  	v35 =	vld.idx.msk [tilespmem:v35+s25+$0x0], $0xffff  }
0x127: {  	v36 =	vld [tilespmem:s22+$0x7810];
	_ =	sdelay $0x3  }
0x128: {  	v37 =	vpop (erf)  }
0x129: {  	v35 =	vmul.f32 v37, v35  }
0x12a: {  	[tilespmem:s22+$0xC800] =	vst v37  }
0x12b: {  	[tilespmem:s22+$0xF000] =	vst v35  }
0x12c: {  	v35 =	vld.idx.msk [tilespmem:v36+s1+$0x0], $0xffff  }
0x12d: {  	v34 =	vld.idx.msk [tilespmem:v34+s24+$0x0], $0xffff;
	_ =	sdelay $0x5  }
0x12e: {  	v34 =	vadd.f32 v34, v35;
	_ =	sdelay $0x1  }
0x12f: {  	v35 =	vmul.f32 $2.000000030e-01, v34;
	_ =	sdelay $0x1  }
0x130: {  	v34 =	vmax.f32 v34, v35  }
0x131: {  	v34 =	vmul.f32 $1.442695020e+00, v34;
	_ =	sdelay $0x1  }
0x132: {  	(erf) = vpow2.f32 v34;
	_ =	sdelay $0x1  }
0x133: {  	v34 =	vld.idx.msk [tilespmem:v36+s25+$0x0], $0xffff;
	_ =	sdelay $0x1  }
0x134: {  	v35 =	vld [tilespmem:s22+$0xA020]  }
0x135: {  	v36 =	vld [tilespmem:s22+$0x7820];
	_ =	sdelay $0x3  }
0x136: {  	v37 =	vpop (erf)  }
0x137: {  	[tilespmem:s22+$0xC810] =	vst v37;
	v34 =	vmul.f32 v37, v34;
	_ =	sdelay $0x1  }
0x138: {  	[tilespmem:s22+$0xF010] =	vst v34  }
0x139: {  	v34 =	vld.idx.msk [tilespmem:v36+s1+$0x0], $0xffff  }
0x13a: {  	v35 =	vld.idx.msk [tilespmem:v35+s24+$0x0], $0xffff;
	_ =	sdelay $0x5  }
0x13b: {  	v34 =	vadd.f32 v35, v34;
	_ =	sdelay $0x1  }
0x13c: {  	v35 =	vmul.f32 $2.000000030e-01, v34;
	_ =	sdelay $0x1  }
0x13d: {  	v34 =	vmax.f32 v34, v35  }
0x13e: {  	v34 =	vmul.f32 $1.442695020e+00, v34;
	_ =	sdelay $0x1  }
0x13f: {  	(erf) = vpow2.f32 v34  }
0x140: {  	v34 =	vld.idx.msk [tilespmem:v36+s25+$0x0], $0xffff;
	_ =	sdelay $0x2  }
0x141: {  	v35 =	vld [tilespmem:s22+$0xA030]  }
0x142: {  	v36 =	vld [tilespmem:s22+$0x7830];
	_ =	sdelay $0x3  }
0x143: {  	v37 =	vpop (erf)  }
0x144: {  	[tilespmem:s22+$0xC820] =	vst v37;
	v34 =	vmul.f32 v37, v34;
	_ =	sdelay $0x1  }
0x145: {  	[tilespmem:s22+$0xF020] =	vst v34  }
0x146: {  	v34 =	vld.idx.msk [tilespmem:v36+s1+$0x0], $0xffff  }
0x147: {  	v35 =	vld.idx.msk [tilespmem:v35+s24+$0x0], $0xffff;
	_ =	sdelay $0x5  }
0x148: {  	v34 =	vadd.f32 v35, v34;
	_ =	sdelay $0x1  }
0x149: {  	v35 =	vmul.f32 $2.000000030e-01, v34;
	_ =	sdelay $0x1  }
0x14a: {  	v34 =	vmax.f32 v34, v35  }
0x14b: {  	v34 =	vmul.f32 $1.442695020e+00, v34;
	_ =	sdelay $0x1  }
0x14c: {  	v35 =	vld.idx.msk [tilespmem:v36+s25+$0x0], $0xffff;
	(erf) = vpow2.f32 v34;
	_ =	sdelay $0x3  }
0x14d: {  	v34 =	vld [tilespmem:s22+$0xA040]  }
0x14e: {  	v36 =	vld [tilespmem:s22+$0x7840];
	_ =	sdelay $0x3  }
0x14f: {  	v37 =	vpop (erf)  }
0x150: {  	[tilespmem:s22+$0xC830] =	vst v37;
	v35 =	vmul.f32 v37, v35;
	_ =	sdelay $0x1  }
0x151: {  	[tilespmem:s22+$0xF030] =	vst v35  }
0x152: {  	v35 =	vld.idx.msk [tilespmem:v36+s1+$0x0], $0xffff  }
0x153: {  	v34 =	vld.idx.msk [tilespmem:v34+s24+$0x0], $0xffff;
	_ =	sdelay $0x5  }
0x154: {  	v34 =	vadd.f32 v34, v35;
	_ =	sdelay $0x1  }
0x155: {  	v35 =	vmul.f32 $2.000000030e-01, v34;
	_ =	sdelay $0x1  }
0x156: {  	v34 =	vmax.f32 v34, v35  }
0x157: {  	v34 =	vmul.f32 $1.442695020e+00, v34  }
0x158: {  	v35 =	vld.idx.msk [tilespmem:v36+s25+$0x0], $0xffff  }
0x159: {  	(erf) = vpow2.f32 v34;
	_ =	sdelay $0x3  }
0x15a: {  	v34 =	vld [tilespmem:s22+$0xA050]  }
0x15b: {  	v36 =	vld [tilespmem:s22+$0x7850];
	_ =	sdelay $0x3  }
0x15c: {  	v37 =	vpop (erf)  }
0x15d: {  	[tilespmem:s22+$0xC840] =	vst v37;
	v35 =	vmul.f32 v37, v35;
	_ =	sdelay $0x1  }
0x15e: {  	[tilespmem:s22+$0xF040] =	vst v35  }
0x15f: {  	v35 =	vld.idx.msk [tilespmem:v36+s1+$0x0], $0xffff  }
0x160: {  	v34 =	vld.idx.msk [tilespmem:v34+s24+$0x0], $0xffff  }
0x161: {  	v36 =	vld.idx.msk [tilespmem:v36+s25+$0x0], $0xffff;
	_ =	sdelay $0x4  }
0x162: {  	v34 =	vadd.f32 v34, v35;
	_ =	sdelay $0x1  }
0x163: {  	v35 =	vmul.f32 $2.000000030e-01, v34;
	_ =	sdelay $0x1  }
0x164: {  	v34 =	vmax.f32 v34, v35  }
0x165: {  	v34 =	vmul.f32 $1.442695020e+00, v34;
	_ =	sdelay $0x1  }
0x166: {  	(erf) = vpow2.f32 v34;
	_ =	sdelay $0x3  }
0x167: {  	v34 =	vld [tilespmem:s22+$0xA060]  }
0x168: {  	v35 =	vld [tilespmem:s22+$0x7860];
	_ =	sdelay $0x3  }
0x169: {  	v37 =	vpop (erf)  }
0x16a: {  	[tilespmem:s22+$0xC850] =	vst v37;
	v36 =	vmul.f32 v37, v36;
	_ =	sdelay $0x1  }
0x16b: {  	[tilespmem:s22+$0xF050] =	vst v36  }
0x16c: {  	v36 =	vld.idx.msk [tilespmem:v35+s1+$0x0], $0xffff  }
0x16d: {  	v34 =	vld.idx.msk [tilespmem:v34+s24+$0x0], $0xffff  }
0x16e: {  	v35 =	vld.idx.msk [tilespmem:v35+s25+$0x0], $0xffff;
	_ =	sdelay $0x4  }
0x16f: {  	v34 =	vadd.f32 v34, v36;
	_ =	sdelay $0x1  }
0x170: {  	v36 =	vmul.f32 $2.000000030e-01, v34;
	_ =	sdelay $0x1  }
0x171: {  	v34 =	vmax.f32 v34, v36  }
0x172: {  	v34 =	vmul.f32 $1.442695020e+00, v34;
	_ =	sdelay $0x1  }
0x173: {  	(erf) = vpow2.f32 v34;
	_ =	sdelay $0x3  }
0x174: {  	v34 =	vld [tilespmem:s22+$0xA070]  }
0x175: {  	v36 =	vld [tilespmem:s22+$0x7870];
	_ =	sdelay $0x3  }
0x176: {  	v37 =	vpop (erf)  }
0x177: {  	[tilespmem:s22+$0xC860] =	vst v37;
	v35 =	vmul.f32 v37, v35;
	_ =	sdelay $0x1  }
0x178: {  	[tilespmem:s22+$0xF060] =	vst v35  }
0x179: {  	v35 =	vld.idx.msk [tilespmem:v36+s1+$0x0], $0xffff  }
0x17a: {  	v37 =	vld.idx.msk [tilespmem:v34+s24+$0x0], $0xffff  }
0x17b: {  	v34 =	vld.idx.msk [tilespmem:v36+s25+$0x0], $0xffff;
	_ =	sdelay $0x4  }
0x17c: {  	v35 =	vadd.f32 v37, v35;
	_ =	sdelay $0x1  }
0x17d: {  	v36 =	vmul.f32 $2.000000030e-01, v35  }
.Ltmp2:
0x17e: {  	(pc) =	sbr.rel @p1 .LBB2_5-.Ltmp2, $3  }
0x17f: {  	v35 =	vmax.f32 v35, v36  }
0x180: {  	v35 =	vmul.f32 $1.442695020e+00, v35;
	_ =	sdelay $0x1  }
0x181: {  	(erf) = vpow2.f32 v35  }
0x182: {  	_ =	sdelay $0x2  }
0x183: {  	s5 =	sshra.s32 s23, $0x2  }
0x184: {  	v35 =	vld [tilespmem:s5+$0x7800]  }
0x185: {  	v36 =	vld [tilespmem:s5+$0xA000];
	_ =	sdelay $0x2  }
0x186: {  	v37 =	vpop (erf)  }
0x187: {  	v34 =	vmul.f32 v37, v34  }
0x188: {  	[tilespmem:s22+$0xC870] =	vst v37  }
0x189: {  	[tilespmem:s22+$0xF070] =	vst v34  }
0x18a: {  	v34 =	vld.idx.msk [tilespmem:v35+s1+$0x0], $0xffff  }
0x18b: {  	v36 =	vld.idx.msk [tilespmem:v36+s24+$0x0], $0xffff;
	_ =	sdelay $0x4  }
0x18c: {  	v34 =	vadd.f32 v36, v34;
	_ =	sdelay $0x1  }
0x18d: {  	v36 =	vmul.f32 $2.000000030e-01, v34;
	_ =	sdelay $0x1  }
0x18e: {  	v34 =	vmax.f32 v34, v36  }
0x18f: {  	v34 =	vmul.f32 $1.442695020e+00, v34;
	_ =	sdelay $0x1  }
0x190: {  	(erf) = vpow2.f32 v34;
	_ =	sdelay $0x3  }
0x191: {  	v58 =	vld.idx.msk [tilespmem:v35+s25+$0x0], $0xffff  }
0x192: {  	v59 =	vld [tilespmem:s5+$0x7810]  }
0x193: {  	v60 =	vld [tilespmem:s5+$0xA010];
	_ =	sdelay $0x2  }
0x194: {  	v61 =	vpop (erf)  }
0x195: {  	v34 =	vmul.f32 v61, v58  }
0x196: {  	[tilespmem:s5+$0xC800] =	vst v61  }
0x197: {  	[tilespmem:s5+$0xF000] =	vst v34  }
0x198: {  	v34 =	vld.idx.msk [tilespmem:v59+s1+$0x0], $0xffff  }
0x199: {  	v36 =	vld.idx.msk [tilespmem:v60+s24+$0x0], $0xffff;
	_ =	sdelay $0x4  }
0x19a: {  	v34 =	vadd.f32 v36, v34;
	_ =	sdelay $0x1  }
0x19b: {  	v36 =	vmul.f32 $2.000000030e-01, v34;
	_ =	sdelay $0x1  }
0x19c: {  	v34 =	vmax.f32 v34, v36  }
0x19d: {  	v34 =	vmul.f32 $1.442695020e+00, v34;
	_ =	sdelay $0x1  }
0x19e: {  	(erf) = vpow2.f32 v34;
	_ =	sdelay $0x3  }
0x19f: {  	v63 =	vld [tilespmem:s5+$0x7820]  }
0x1a0: {  	v62 =	vld.idx.msk [tilespmem:v59+s25+$0x0], $0xffff  }
0x1a1: {  	v40 =	vld [tilespmem:s5+$0xA020];
	_ =	sdelay $0x2  }
0x1a2: {  	v41 =	vpop (erf)  }
0x1a3: {  	v34 =	vmul.f32 v41, v62  }
0x1a4: {  	[tilespmem:s5+$0xC810] =	vst v41  }
0x1a5: {  	[tilespmem:s5+$0xF010] =	vst v34  }
0x1a6: {  	v34 =	vld.idx.msk [tilespmem:v63+s1+$0x0], $0xffff  }
0x1a7: {  	v36 =	vld.idx.msk [tilespmem:v40+s24+$0x0], $0xffff;
	_ =	sdelay $0x4  }
0x1a8: {  	v34 =	vadd.f32 v36, v34;
	_ =	sdelay $0x1  }
0x1a9: {  	v36 =	vmul.f32 $2.000000030e-01, v34;
	_ =	sdelay $0x1  }
0x1aa: {  	v34 =	vmax.f32 v34, v36  }
0x1ab: {  	v34 =	vmul.f32 $1.442695020e+00, v34;
	_ =	sdelay $0x1  }
0x1ac: {  	(erf) = vpow2.f32 v34;
	_ =	sdelay $0x3  }
0x1ad: {  	v43 =	vld [tilespmem:s5+$0x7830]  }
0x1ae: {  	v42 =	vld.idx.msk [tilespmem:v63+s25+$0x0], $0xffff  }
0x1af: {  	v44 =	vld [tilespmem:s5+$0xA030];
	_ =	sdelay $0x2  }
0x1b0: {  	v45 =	vpop (erf)  }
0x1b1: {  	v34 =	vmul.f32 v45, v42  }
0x1b2: {  	[tilespmem:s5+$0xC820] =	vst v45  }
0x1b3: {  	[tilespmem:s5+$0xF020] =	vst v34  }
0x1b4: {  	v34 =	vld.idx.msk [tilespmem:v43+s1+$0x0], $0xffff  }
0x1b5: {  	v36 =	vld.idx.msk [tilespmem:v44+s24+$0x0], $0xffff;
	_ =	sdelay $0x4  }
0x1b6: {  	v34 =	vadd.f32 v36, v34;
	_ =	sdelay $0x1  }
0x1b7: {  	v36 =	vmul.f32 $2.000000030e-01, v34;
	_ =	sdelay $0x1  }
0x1b8: {  	v34 =	vmax.f32 v34, v36  }
0x1b9: {  	v34 =	vmul.f32 $1.442695020e+00, v34;
	_ =	sdelay $0x1  }
0x1ba: {  	(erf) = vpow2.f32 v34;
	_ =	sdelay $0x3  }
0x1bb: {  	v47 =	vld [tilespmem:s5+$0x7840]  }
0x1bc: {  	v46 =	vld.idx.msk [tilespmem:v43+s25+$0x0], $0xffff  }
0x1bd: {  	v48 =	vld [tilespmem:s5+$0xA040];
	_ =	sdelay $0x2  }
0x1be: {  	v49 =	vpop (erf)  }
0x1bf: {  	v34 =	vmul.f32 v49, v46  }
0x1c0: {  	[tilespmem:s5+$0xC830] =	vst v49  }
0x1c1: {  	[tilespmem:s5+$0xF030] =	vst v34  }
0x1c2: {  	v34 =	vld.idx.msk [tilespmem:v47+s1+$0x0], $0xffff  }
0x1c3: {  	v36 =	vld.idx.msk [tilespmem:v48+s24+$0x0], $0xffff;
	_ =	sdelay $0x4  }
0x1c4: {  	v34 =	vadd.f32 v36, v34;
	_ =	sdelay $0x1  }
0x1c5: {  	v36 =	vmul.f32 $2.000000030e-01, v34;
	_ =	sdelay $0x1  }
0x1c6: {  	v34 =	vmax.f32 v34, v36  }
0x1c7: {  	v34 =	vmul.f32 $1.442695020e+00, v34;
	_ =	sdelay $0x1  }
0x1c8: {  	(erf) = vpow2.f32 v34;
	_ =	sdelay $0x3  }
0x1c9: {  	v51 =	vld [tilespmem:s5+$0x7850]  }
0x1ca: {  	v50 =	vld.idx.msk [tilespmem:v47+s25+$0x0], $0xffff  }
0x1cb: {  	v52 =	vld [tilespmem:s5+$0xA050];
	_ =	sdelay $0x2  }
0x1cc: {  	v53 =	vpop (erf)  }
0x1cd: {  	v34 =	vmul.f32 v53, v50  }
0x1ce: {  	[tilespmem:s5+$0xC840] =	vst v53  }
0x1cf: {  	[tilespmem:s5+$0xF040] =	vst v34  }
0x1d0: {  	v34 =	vld.idx.msk [tilespmem:v51+s1+$0x0], $0xffff  }
0x1d1: {  	v36 =	vld.idx.msk [tilespmem:v52+s24+$0x0], $0xffff;
	_ =	sdelay $0x4  }
0x1d2: {  	v34 =	vadd.f32 v36, v34;
	_ =	sdelay $0x1  }
0x1d3: {  	v36 =	vmul.f32 $2.000000030e-01, v34;
	_ =	sdelay $0x1  }
0x1d4: {  	v34 =	vmax.f32 v34, v36  }
0x1d5: {  	v34 =	vmul.f32 $1.442695020e+00, v34;
	_ =	sdelay $0x1  }
0x1d6: {  	(erf) = vpow2.f32 v34;
	_ =	sdelay $0x3  }
0x1d7: {  	v55 =	vld [tilespmem:s5+$0x7860]  }
0x1d8: {  	v54 =	vld.idx.msk [tilespmem:v51+s25+$0x0], $0xffff  }
0x1d9: {  	v56 =	vld [tilespmem:s5+$0xA060];
	_ =	sdelay $0x2  }
0x1da: {  	v57 =	vpop (erf)  }
0x1db: {  	v34 =	vmul.f32 v57, v54  }
0x1dc: {  	[tilespmem:s5+$0xC850] =	vst v57  }
0x1dd: {  	[tilespmem:s5+$0xF050] =	vst v34  }
0x1de: {  	v34 =	vld.idx.msk [tilespmem:v55+s1+$0x0], $0xffff  }
0x1df: {  	v36 =	vld.idx.msk [tilespmem:v56+s24+$0x0], $0xffff;
	_ =	sdelay $0x4  }
0x1e0: {  	v34 =	vadd.f32 v36, v34;
	_ =	sdelay $0x1  }
0x1e1: {  	v36 =	vmul.f32 $2.000000030e-01, v34;
	_ =	sdelay $0x1  }
0x1e2: {  	v34 =	vmax.f32 v34, v36  }
0x1e3: {  	v34 =	vmul.f32 $1.442695020e+00, v34;
	_ =	sdelay $0x1  }
0x1e4: {  	(erf) = vpow2.f32 v34;
	_ =	sdelay $0x3  }
0x1e5: {  	v59 =	vld [tilespmem:s5+$0x7870]  }
0x1e6: {  	v58 =	vld.idx.msk [tilespmem:v55+s25+$0x0], $0xffff  }
0x1e7: {  	v60 =	vld [tilespmem:s5+$0xA070];
	_ =	sdelay $0x2  }
0x1e8: {  	v61 =	vpop (erf)  }
0x1e9: {  	v34 =	vmul.f32 v61, v58  }
0x1ea: {  	[tilespmem:s5+$0xC860] =	vst v61  }
0x1eb: {  	[tilespmem:s5+$0xF060] =	vst v34  }
0x1ec: {  	v34 =	vld.idx.msk [tilespmem:v59+s1+$0x0], $0xffff  }
0x1ed: {  	v36 =	vld.idx.msk [tilespmem:v60+s24+$0x0], $0xffff;
	_ =	sdelay $0x4  }
0x1ee: {  	v34 =	vadd.f32 v36, v34;
	_ =	sdelay $0x1  }
0x1ef: {  	v36 =	vmul.f32 $2.000000030e-01, v34;
	_ =	sdelay $0x1  }
0x1f0: {  	v34 =	vmax.f32 v34, v36  }
0x1f1: {  	v34 =	vmul.f32 $1.442695020e+00, v34;
	_ =	sdelay $0x1  }
0x1f2: {  	(erf) = vpow2.f32 v34;
	_ =	sdelay $0x4  }
0x1f3: {  	v62 =	vld.idx.msk [tilespmem:v59+s25+$0x0], $0xffff;
	_ =	sdelay $0x3  }
0x1f4: {  	v63 =	vpop (erf)  }
0x1f5: {  	v34 =	vmul.f32 v63, v62  }
0x1f6: {  	[tilespmem:s5+$0xC870] =	vst v63  }
0x1f7: {  	s6 =	simm.s32 $0xC800;
	s22 =	simm.s32 $0xA000;
	[tilespmem:s5+$0xF070] =	vst v34  }
0x1f8: {  	[spmem:s2] =	stream.indirect.scatter.add.f32 [tilespmem:s6], [sflag:$0x1], $0x1, s22, s28, $0xb8;
	[tilespmem:$0x11F80] =	vst v63  }
0x1f9: {  	_ =	swait.ge [sflag:s20], $0x80  }
0x1fa: {  	[sflag:s20] =	ssyncset.done $0x0  }
0x1fb: {  	s23 =	simm.s32 $0xF000;
	[sflag:s20] =	ssyncadd.s32 $0xFFFFFF80  }
0x1fc: {  	[spmem:s3] =	stream.indirect.scatter.add.f32 [tilespmem:s23], [sflag:$0x1], $0x1, s22, s28, $0xb8;
	[tilespmem:$0x11F80] =	vst v63  }
0x1fd: {  	_ =	swait.ge [sflag:s20], $0x80  }
0x1fe: {  	s1 =	simm.s32 $0x80;
	s5 =	simm.s32 $0x400;
	[sflag:s20] =	ssyncset.done $0x0  }
.LBB2_7:
0x1ff: {  	s6 =	sadd.s32 $0xC800, s1  }
0x200: {  	s22 =	sadd.s32 $0xA000, s1;
	[sflag:s20] =	ssyncadd.s32 $0xFFFFFF80;
	s23 =	smov.u32 s5  }
0x201: {  	[spmem:s2] =	stream.indirect.scatter.add.f32 [tilespmem:s6], [sflag:$0x1], $0x1, s22, s28, $0xb8;
	[tilespmem:$0x11F80] =	vst v63  }
0x202: {  	p1 =	sne.s32 s5, $0x9E00;
	s5 =	sadd.s32 $0x200, s5;
	_ =	swait.ge [sflag:s20], $0x80  }
.Ltmp3:
0x203: {  	[sflag:s20] =	ssyncset.done $0x0;
	(pc) =	sbr.rel @p1 .LBB2_7-.Ltmp3, $4  }
0x204: {  	s1 =	sadd.s32 $0xF000, s1;
	[sflag:s20] =	ssyncadd.s32 $0xFFFFFF80  }
0x205: {  	[spmem:s3] =	stream.indirect.scatter.add.f32 [tilespmem:s1], [sflag:$0x1], $0x1, s22, s28, $0xb8;
	[tilespmem:$0x11F80] =	vst v63  }
0x206: {  	_ =	swait.ge [sflag:s20], $0x80  }
0x207: {  	s1 =	sshra.s32 s23, $0x2;
	[sflag:s20] =	ssyncset.done $0x0  }
0x208: {  	s5 =	sadd.s32 $0xC800, s1;
	s6 =	sadd.s32 $0xA000, s1;
	[sflag:s20] =	ssyncadd.s32 $0xFFFFFF80  }
0x209: {  	[spmem:s2] =	stream.indirect.scatter.add.f32 [tilespmem:s5], [sflag:$0x1], $0x1, s6, s28, $0xb8;
	[tilespmem:$0x11F80] =	vst v63  }
0x20a: {  	_ =	swait.ge [sflag:s20], $0x80  }
0x20b: {  	[sflag:s20] =	ssyncset.done $0x0  }
0x20c: {  	s5 =	sadd.s32 $0xF000, s1;
	[sflag:s20] =	ssyncadd.s32 $0xFFFFFF80  }
0x20d: {  	[spmem:s3] =	stream.indirect.scatter.add.f32 [tilespmem:s5], [sflag:$0x1], $0x1, s6, s28, $0xb8;
	[tilespmem:$0x11F80] =	vst v63  }
0x20e: {  	_ =	swait.ge [sflag:s20], $0x80  }
0x20f: {  	[sflag:s20] =	ssyncset.done $0x0  }
0x210: {  	s6 =	sshll.u32 s0, $0x6;
	[sflag:s20] =	ssyncadd.s32 $0xFFFFFF80  }
0x211: {  	s22 =	sshrl.u32 s14, $0x3;
	s1 =	sor.u32 $0x1C01, s6;
	[bflag:$0x0] =	sbarrier.arrive $0xFFFF  }
0x212: {  	[hbm:s16@s29], [sflag:s1] =	dma.strided [spmem:s22@s30], $0x50, s20, $0x10   }
0x213: {  	s31 =	sadd.s32 $0x1, s31;
	_ =	swait.ge [sflag:s20], $0x50  }
0x214: {  	p1 =	sne.s32 s31, s18;
	[sflag:s20] =	ssyncset.done $0x0  }
.Ltmp4:
0x215: {  	s23 =	sshrl.u32 s15, $0x3;
	[sflag:s20] =	ssyncadd.s32 $0xFFFFFFB0;
	(pc) =	sbr.rel @p1 .LBB2_1-.Ltmp4, $4  }
0x216: {  	[hbm:s17@s29], [sflag:s1] =	dma.strided [spmem:s23@s30], $0x50, s20, $0x10   }
0x217: {  	_ =	swait.ge [sflag:s20], $0x50  }
0x218: {  	[sflag:s20] =	ssyncset.done $0x0  }
0x219: {  	[sflag:s20] =	ssyncadd.s32 $0xFFFFFFB0  }
0x21a: {  	_ =	sfence.sel $0x180000  }
0x21b: {  	[bflag:$0x0] =	sbarrier.arrive $0xFFFF  }
0x21c: {  	_ =	strace $0x90000047  }
0x21d: {  	[bflag:$0x2] =	sbarrier.arrive $0xFFFF  }
0x21e: {  	p0 =	sne.s32 s0, $0x0;
	s0 =	rddreg [dreg:$0x3]  }
0x21f: {  	s0 =	sadd.s32 @!p0 $0x100000, s0  }
0x220: {  	[sflag:s0] =	ssyncadd.tile.s32 @!p0 $0x1;
	_ =	shalt  }
.Lfunc_end2:
_tile_overlayer_lowered:
.L_overlay_start_2:
0x221: {  	(tag) =	ssettag $0x2  }
0x222: {  	s0 =	rddreg [dreg:$0x0];
	s2 =	stileid.u32  }
0x223: {  	s1 =	rddreg [dreg:$0x1];
	p0 =	sne.s32 s2, $0x0  }
0x224: {  	s3 =	rddreg [dreg:$0x2];
	[bflag:$0x3] =	sbarrier.arrive $0xFFFF;
	s2 =	simm.s32 @!p0 $0x1C01  }
0x225: {  	[timem:s3], [sflag:s2] =	dma.local @!p0 [hbm:s0], s1  }
0x226: {  	s0 =	simm.s32 @!p0 $0x1  }
0x227: {  	_ =	swait.ge @!p0 [sflag:s0], s1  }
0x228: {  	s1 =	ssub.s32 @!p0 $0x0, s1;
	[sflag:s0] =	ssyncset.done @!p0 $0x0  }
0x229: {  	[sflag:s0] =	ssyncadd.s32 @!p0 s1  }
0x22a: {  	[bflag:$0x3] =	sbarrier.arrive $0xFFFF  }
0x22b: {  	_ =	shalt  }

</sc_bundles>
